<compile_context>
chip_gen: v7x
topology: tpu7x:2x2x1
jax: 0.10.2.dev20260603
libtpu: 0.0.44.dev20260713+nightly
codegen_flags: <defaults>
</compile_context>

<pallas_src>
import functools

import jax
import numpy as np
import jax.numpy as jnp
from jax import lax
from jax.experimental import pallas as pl
from jax.experimental.pallas import tpu as pltpu
from jax.experimental.pallas import tpu_sc as plsc

B, N, C = 8, 16128, 85
K_NUM = 20
NCORE, NSUB, L = 2, 16, 16
NCHUNK = 4
R = N // NCHUNK
GROUP = 64
G = R // GROUP
NEG = np.float32(-3.0e38)

_f32 = jnp.float32
_i32 = jnp.int32


def _iota16():
    return lax.iota(_i32, L)


def _find_max_and_group(gmax_ref):
    vs = [gmax_ref[pl.ds(q * L, L)] for q in range(4)]
    m = jnp.max(jnp.maximum(jnp.maximum(vs[0], vs[1]),
                            jnp.maximum(vs[2], vs[3])))
    iota = _iota16()
    big = np.int32(4 * L)
    cand = jnp.minimum(
        jnp.minimum(jnp.where(vs[0] == m, iota, big),
                    jnp.where(vs[1] == m, iota + L, big)),
        jnp.minimum(jnp.where(vs[2] == m, iota + 2 * L, big),
                    jnp.where(vs[3] == m, iota + 3 * L, big)))
    return m, jnp.min(cand)


def _remove_one_and_refresh(valbuf, gmax_ref, g, m):
    iota = _iota16()
    base = g * GROUP
    vs = [valbuf[pl.ds(base + q * L, L)] for q in range(4)]
    big = np.int32(GROUP)
    pos = jnp.min(jnp.minimum(
        jnp.minimum(jnp.where(vs[0] == m, iota, big),
                    jnp.where(vs[1] == m, iota + L, big)),
        jnp.minimum(jnp.where(vs[2] == m, iota + 2 * L, big),
                    jnp.where(vs[3] == m, iota + 3 * L, big))))
    gm = NEG
    for q in range(4):
        v2 = jnp.where(iota + q * L == pos, NEG, vs[q])
        valbuf[pl.ds(base + q * L, L)] = v2
        gm = jnp.maximum(gm, jnp.max(v2))
    plsc.store_scatter(gmax_ref, [jnp.full((L,), g, _i32)],
                       jnp.full((L,), gm, _f32), mask=iota == 0)


def _extract_topk(valbuf, gmax_ref, top_ref):
    def body(i, acc):
        m, g = _find_max_and_group(gmax_ref)
        _remove_one_and_refresh(valbuf, gmax_ref, g, m)
        plsc.store_scatter(top_ref, [jnp.full((L,), i, _i32)],
                           jnp.full((L,), m, _f32), mask=_iota16() == 0)
        return acc + m
    return lax.fori_loop(0, K_NUM, body, np.float32(0.0))


def _merge_topk_sum(merge_ref):
    iota = _iota16()
    gm0 = jnp.full((L,), NEG, _f32)
    for j in range(8):
        gm0 = jnp.where(iota == j, jnp.max(merge_ref[pl.ds(j * L, L)]), gm0)

    def body(i, carry):
        acc, gm = carry
        m = jnp.max(gm)
        g = jnp.min(jnp.where(gm == m, iota, L))
        v = merge_ref[pl.ds(g * L, L)]
        pos = jnp.min(jnp.where(v == m, iota, L))
        v2 = jnp.where(iota == pos, NEG, v)
        merge_ref[pl.ds(g * L, L)] = v2
        gm = jnp.where(iota == g, jnp.max(v2), gm)
        return (acc + m, gm)

    acc, _ = lax.fori_loop(0, K_NUM, body, (np.float32(0.0), gm0))
    return acc


def _sc_body(y_hbm, gt_hbm, out_hbm,
             cbx, cby, cbw, cbh, cbo, cbc, ioub, confb, gmax_i, gmax_c, gtv,
             top_i, top_c, shared_i, shared_c, merge_i, merge_c, outv,
             sem0, sem1, sem2, sem3, sem4, sem5):
    c = lax.axis_index("c")
    s = lax.axis_index("s")
    wid = c * NSUB + s
    b = wid // NCHUNK
    chunk = wid % NCHUNK

    row_lo = chunk * R
    sems = (sem0, sem1, sem2, sem3, sem4, sem5)
    copies = [
        pltpu.async_copy(y_hbm.at[b, cc, pl.ds(row_lo, R)], cbuf, sems[cc])
        for cc, cbuf in enumerate((cbx, cby, cbw, cbh, cbo, cbc))
    ]

    pltpu.sync_copy(gt_hbm.at[b], gtv)

    gv = gtv[pl.ds(0, L)]
    gx1, gy1, gx2, gy2, garea = gv[0], gv[1], gv[2], gv[3], gv[4]

    neg = jnp.full((L,), NEG, _f32)
    for q in range(4):
        gmax_i[pl.ds(q * L, L)] = neg
        gmax_c[pl.ds(q * L, L)] = neg
    for q in range(2):
        top_i[pl.ds(q * L, L)] = neg
        top_c[pl.ds(q * L, L)] = neg

    iota = _iota16()
    lane0 = iota == 0

    def group_body(g, _):
        gm_i = neg
        gm_c = neg
        for q in range(4):
            row0 = g * GROUP + q * L
            sl = pl.ds(row0, L)
            cx, cy, w, h, obj, cls = (cbx[sl], cby[sl], cbw[sl], cbh[sl],
                                      cbo[sl], cbc[sl])
            x1 = cx - w * 0.5
            x2 = cx + w * 0.5
            yy1 = cy - h * 0.5
            yy2 = cy + h * 0.5
            ix1 = jnp.maximum(gx1, x1)
            iy1 = jnp.maximum(gy1, yy1)
            ix2 = jnp.minimum(gx2, x2)
            iy2 = jnp.minimum(gy2, yy2)
            iw = jnp.maximum(ix2 - ix1 + 1.0, 0.0)
            ih = jnp.maximum(iy2 - iy1 + 1.0, 0.0)
            inter = iw * ih
            b2a = (x2 - x1 + 1.0) * (yy2 - yy1 + 1.0)
            iou = inter / (garea + b2a - inter + 1e-16)
            conf = obj + cls
            ioub[pl.ds(row0, L)] = iou
            confb[pl.ds(row0, L)] = conf
            gm_i = jnp.maximum(gm_i, iou)
            gm_c = jnp.maximum(gm_c, conf)
        gidx = jnp.full((L,), g, _i32)
        plsc.store_scatter(gmax_i, [gidx],
                           jnp.full((L,), jnp.max(gm_i), _f32), mask=lane0)
        plsc.store_scatter(gmax_c, [gidx],
                           jnp.full((L,), jnp.max(gm_c), _f32), mask=lane0)
        return 0

    for cp in copies:
        cp.wait()
    lax.fori_loop(0, G, group_body, 0)

    _extract_topk(ioub, gmax_i, top_i)
    _extract_topk(confb, gmax_c, top_c)

    pltpu.sync_copy(top_i, shared_i.at[pl.ds(s * 2 * L, 2 * L)])
    pltpu.sync_copy(top_c, shared_c.at[pl.ds(s * 2 * L, 2 * L)])
    plsc.subcore_barrier()

    s0 = (s // NCHUNK) * NCHUNK

    @pl.when(s % NCHUNK == 0)
    def _merge_conf():
        pltpu.sync_copy(shared_c.at[pl.ds(s0 * 2 * L, NCHUNK * 2 * L)],
                        merge_c)
        conf_sum = _merge_topk_sum(merge_c)
        outv[pl.ds(0, L)] = jnp.where(lane0, jnp.full((L,), conf_sum, _f32),
                                      jnp.zeros((L,), _f32))
        pltpu.sync_copy(outv, out_hbm.at[b, 0])

    @pl.when(s % NCHUNK == 1)
    def _merge_iou():
        pltpu.sync_copy(shared_i.at[pl.ds(s0 * 2 * L, NCHUNK * 2 * L)],
                        merge_i)
        iou_sum = _merge_topk_sum(merge_i)
        outv[pl.ds(0, L)] = jnp.where(lane0, jnp.full((L,), iou_sum, _f32),
                                      jnp.zeros((L,), _f32))
        pltpu.sync_copy(outv, out_hbm.at[b, 1])


@functools.partial(jax.jit, static_argnames=())
def _sc_call(y, gtf):
    mesh = plsc.VectorSubcoreMesh(core_axis_name="c", subcore_axis_name="s",
                                  num_cores=NCORE, num_subcores=NSUB)
    fn = pl.kernel(
        _sc_body,
        out_type=jax.ShapeDtypeStruct((B, 2, L), _f32),
        mesh=mesh,
        compiler_params=pltpu.CompilerParams(use_tc_tiling_on_sc=False,
                                             needs_layout_passes=False),
        scratch_types=[
            pltpu.VMEM((R,), _f32),
            pltpu.VMEM((R,), _f32),
            pltpu.VMEM((R,), _f32),
            pltpu.VMEM((R,), _f32),
            pltpu.VMEM((R,), _f32),
            pltpu.VMEM((R,), _f32),
            pltpu.VMEM((R,), _f32),
            pltpu.VMEM((R,), _f32),
            pltpu.VMEM((GROUP,), _f32),
            pltpu.VMEM((GROUP,), _f32),
            pltpu.VMEM((L,), _f32),
            pltpu.VMEM((2 * L,), _f32),
            pltpu.VMEM((2 * L,), _f32),
            pltpu.VMEM_SHARED((NSUB * 2 * L,), _f32),
            pltpu.VMEM_SHARED((NSUB * 2 * L,), _f32),
            pltpu.VMEM((NCHUNK * 2 * L,), _f32),
            pltpu.VMEM((NCHUNK * 2 * L,), _f32),
            pltpu.VMEM((L,), _f32),
            pltpu.SemaphoreType.DMA,
            pltpu.SemaphoreType.DMA,
            pltpu.SemaphoreType.DMA,
            pltpu.SemaphoreType.DMA,
            pltpu.SemaphoreType.DMA,
            pltpu.SemaphoreType.DMA,
        ],
    )
    return fn(y, gtf)


def kernel(YOLOoutput, conf_thres, gt_boxes):
    del conf_thres
    gt = gt_boxes.astype(_f32)
    x1, y1, x2, y2 = gt[:, 0], gt[:, 1], gt[:, 2], gt[:, 3]
    area = (x2 - x1 + 1.0) * (y2 - y1 + 1.0)
    zeros = jnp.zeros_like(x1)
    gtf = jnp.stack([x1, y1, x2, y2, area] + [zeros] * 11, axis=1)
    yt = jnp.transpose(YOLOoutput[:, :, :6], (0, 2, 1))
    out = _sc_call(yt, gtf)
    max_conf = out[:, 0, 0] / K_NUM
    max_ious = jnp.sum(out[:, 1, 0]) / K_NUM
    return (max_conf, max_ious)

# --- scband reference (transcript-rebuilt; emitter-appended) ---
"""Pipeline reference for scband-max-prob-extractor-21912923144507 (READ-ONLY COPY).

The authoritative reference and input builder live on the scoring server;
editing this copy changes nothing except your own understanding.
"""

import jax, jax.numpy as jnp
import numpy as np

B, N, C = 8, 16128, 85
CLS_ID = 0
K_NUM = 20

def setup_inputs(seed: int = 0) -> dict:
    key = jax.random.key(seed)
    k1, k2, k3 = jax.random.split(key, 3)
    boxes = jax.random.uniform(k1, (B, N, 4), dtype=jnp.float32) * 512.0
    rest = jax.random.uniform(k2, (B, N, C - 4), dtype=jnp.float32)
    YOLOoutput = jnp.concatenate([boxes, rest], axis=-1)
    raw = jax.random.randint(k3, (B, 4), 0, 512, dtype=jnp.int32)
    xs = jnp.sort(raw[:, jnp.array([0, 2])], axis=1)
    ys = jnp.sort(raw[:, jnp.array([1, 3])], axis=1)
    gt_boxes = jnp.stack([xs[:, 0], ys[:, 0], xs[:, 1], ys[:, 1]], axis=1).astype(jnp.int32)
    return {"YOLOoutput": YOLOoutput, "conf_thres": 0, "gt_boxes": gt_boxes}

def reference(YOLOoutput, conf_thres, gt_boxes):
    Y = YOLOoutput
    output_objectness = Y[:, :, 4]
    confs_for_class = Y[:, :, 5 + CLS_ID]
    confs_if_object = output_objectness + confs_for_class
    # box center->corner transform (faithful to in-place prediction[:,:,:4] rewrite)
    b2_x1 = Y[:, :, 0] - Y[:, :, 2] / 2
    b2_y1 = Y[:, :, 1] - Y[:, :, 3] / 2
    b2_x2 = Y[:, :, 0] + Y[:, :, 2] / 2
    b2_y2 = Y[:, :, 1] + Y[:, :, 3] / 2
    gt = gt_boxes.astype(jnp.float32)
    b1_x1 = gt[:, 0:1]
    b1_y1 = gt[:, 1:2]
    b1_x2 = gt[:, 2:3]
    b1_y2 = gt[:, 3:4]
    inter_x1 = jnp.maximum(b1_x1, b2_x1)
    inter_y1 = jnp.maximum(b1_y1, b2_y1)
    inter_x2 = jnp.minimum(b1_x2, b2_x2)
    inter_y2 = jnp.minimum(b1_y2, b2_y2)
    inter_area = jnp.clip(inter_x2 - inter_x1 + 1, 0) * jnp.clip(inter_y2 - inter_y1 + 1, 0)
    b1_area = (b1_x2 - b1_x1 + 1) * (b1_y2 - b1_y1 + 1)
    b2_area = (b2_x2 - b2_x1 + 1) * (b2_y2 - b2_y1 + 1)
    ious = inter_area / (b1_area + b2_area - inter_area + 1e-16)  # [B, N]
    top_iou_vals, _ = jax.lax.top_k(ious, K_NUM)  # [B, K]
    # per-image sum(topk)/k, accumulated over batch (scalar)
    max_ious = jnp.sum(top_iou_vals) / K_NUM
    top_conf_vals, _ = jax.lax.top_k(confs_if_object, K_NUM)  # [B, K]
    max_conf = jnp.sum(top_conf_vals, axis=1) / K_NUM  # [B]
    return (max_conf, max_ious)

if __name__ == "__main__":
    import jax
    _d = setup_inputs()
    print(jax.jit(kernel)(*tuple(_d.values())))

</pallas_src>

<mosaic_0001>
#map = affine_map<(d0, d1) -> (0, 0, 0)>
#map1 = affine_map<(d0, d1) -> (0, 0)>
module attributes {stable_mosaic.version = 14 : i64} {
  func.func @_sc_body(%arg0: i32, %arg1: i32, %arg2: memref<8x6x16128xf32, #tpu.memory_space<hbm>>, %arg3: memref<8x16xf32, #tpu.memory_space<hbm>>, %arg4: memref<8x2x16xf32, #tpu.memory_space<hbm>>, %arg5: memref<4032xf32, #tpu.memory_space<vmem>>, %arg6: memref<4032xf32, #tpu.memory_space<vmem>>, %arg7: memref<4032xf32, #tpu.memory_space<vmem>>, %arg8: memref<4032xf32, #tpu.memory_space<vmem>>, %arg9: memref<4032xf32, #tpu.memory_space<vmem>>, %arg10: memref<4032xf32, #tpu.memory_space<vmem>>, %arg11: memref<4032xf32, #tpu.memory_space<vmem>>, %arg12: memref<4032xf32, #tpu.memory_space<vmem>>, %arg13: memref<64xf32, #tpu.memory_space<vmem>>, %arg14: memref<64xf32, #tpu.memory_space<vmem>>, %arg15: memref<16xf32, #tpu.memory_space<vmem>>, %arg16: memref<32xf32, #tpu.memory_space<vmem>>, %arg17: memref<32xf32, #tpu.memory_space<vmem>>, %arg18: memref<512xf32, #tpu.memory_space<vmem_shared>>, %arg19: memref<512xf32, #tpu.memory_space<vmem_shared>>, %arg20: memref<128xf32, #tpu.memory_space<vmem>>, %arg21: memref<128xf32, #tpu.memory_space<vmem>>, %arg22: memref<16xf32, #tpu.memory_space<vmem>>, %arg23: memref<!tpu.dma_semaphore, #tpu.memory_space<semaphore_mem>>, %arg24: memref<!tpu.dma_semaphore, #tpu.memory_space<semaphore_mem>>, %arg25: memref<!tpu.dma_semaphore, #tpu.memory_space<semaphore_mem>>, %arg26: memref<!tpu.dma_semaphore, #tpu.memory_space<semaphore_mem>>, %arg27: memref<!tpu.dma_semaphore, #tpu.memory_space<semaphore_mem>>, %arg28: memref<!tpu.dma_semaphore, #tpu.memory_space<semaphore_mem>>) attributes {dimension_semantics = [#tpu.dimension_semantics<core_parallel>, #tpu.dimension_semantics<subcore_parallel>], iteration_bounds = array<i64: 2, 16>, scalar_prefetch = 0 : i64, scratch_operands = 24 : i64, tpu.core_type = #tpu.core_type<sc_vector_subcore>, window_params = [{transform_indices = #map}, {transform_indices = #map1}, {transform_indices = #map}]} {
    %mul3A = arith.constant 16 : i32
    %mul3A_0 = arith.muli %arg0, %mul3A : i32
    %add3A = arith.addi %mul3A_0, %arg1 : i32
    %jit3A = arith.constant 4 : i32
    %div3A = arith.divsi %add3A, %jit3A : i32
    %sign3A = arith.constant 0 : i32
    %sign3A_1 = arith.cmpi sgt, %add3A, %sign3A : i32
    %sign3A_2 = arith.extui %sign3A_1 : i1 to i32
    %sign3A_3 = arith.constant 0 : i32
    %sign3A_4 = arith.cmpi slt, %add3A, %sign3A_3 : i32
    %sign3A_5 = arith.extui %sign3A_4 : i1 to i32
    %sign3A_6 = arith.subi %sign3A_2, %sign3A_5 : i32
    %sign3A_7 = arith.constant 0 : i32
    %sign3A_8 = arith.cmpi sgt, %jit3A, %sign3A_7 : i32
    %sign3A_9 = arith.extui %sign3A_8 : i1 to i32
    %sign3A_10 = arith.constant 0 : i32
    %sign3A_11 = arith.cmpi slt, %jit3A, %sign3A_10 : i32
    %sign3A_12 = arith.extui %sign3A_11 : i1 to i32
    %sign3A_13 = arith.subi %sign3A_9, %sign3A_12 : i32
    %ne3A = arith.cmpi ne, %sign3A_6, %sign3A_13 : i32
    %rem3A = arith.remsi %add3A, %jit3A : i32
    %ne3A_14 = arith.constant 0 : i32
    %ne3A_15 = arith.cmpi ne, %rem3A, %ne3A_14 : i32
    %and3A = arith.andi %ne3A, %ne3A_15 : i1
    %sub3A = arith.constant 1 : i32
    %sub3A_16 = arith.subi %div3A, %sub3A : i32
    %select_n3A = arith.select %and3A, %sub3A_16, %div3A : i32
    %jit3A_17 = arith.constant 4 : i32
    %eq3A = arith.constant 0 : i32
    %eq3A_18 = arith.cmpi eq, %jit3A_17, %eq3A : i32
    %jit3A_19 = arith.constant 1 : i32
    %select_n3A_20 = arith.select %eq3A_18, %jit3A_19, %jit3A_17 : i32
    %rem3A_21 = arith.remsi %add3A, %select_n3A_20 : i32
    %ne3A_22 = arith.constant 0 : i32
    %ne3A_23 = arith.cmpi ne, %rem3A_21, %ne3A_22 : i32
    %lt3A = arith.constant 0 : i32
    %lt3A_24 = arith.cmpi slt, %rem3A_21, %lt3A : i32
    %lt3A_25 = arith.constant 0 : i32
    %lt3A_26 = arith.cmpi slt, %select_n3A_20, %lt3A_25 : i32
    %ne3A_27 = arith.xori %lt3A_24, %lt3A_26 : i1
    %and3A_28 = arith.andi %ne3A_27, %ne3A_23 : i1
    %add3A_29 = arith.addi %rem3A_21, %select_n3A_20 : i32
    %select_n3A_30 = arith.select %and3A_28, %add3A_29, %rem3A_21 : i32
    %mul3A_31 = arith.constant 4032 : i32
    %mul3A_32 = arith.muli %select_n3A_30, %mul3A_31 : i32
    %dma_start3A = arith.constant 0 : i32
    %dma_start3A_33 = tpu.memref_slice %arg2[%select_n3A, %dma_start3A, %mul3A_32] : memref<8x6x16128xf32, #tpu.memory_space<hbm>> -> memref<1x1x4032xf32, #tpu.memory_space<hbm>>
    %dma_start3A_34 = tpu.memref_squeeze %dma_start3A_33 : memref<1x1x4032xf32, #tpu.memory_space<hbm>> -> memref<4032xf32, #tpu.memory_space<hbm>>
    %dma_start3A_35 = tpu.memref_slice %arg2[%select_n3A, %dma_start3A, %mul3A_32] : memref<8x6x16128xf32, #tpu.memory_space<hbm>> -> memref<1x1x4032xf32, #tpu.memory_space<hbm>>
    %dma_start3A_36 = tpu.memref_squeeze %dma_start3A_35 : memref<1x1x4032xf32, #tpu.memory_space<hbm>> -> memref<4032xf32, #tpu.memory_space<hbm>>
    tpu.enqueue_dma source(%dma_start3A_36 : memref<4032xf32, #tpu.memory_space<hbm>>) target(%arg5 : memref<4032xf32, #tpu.memory_space<vmem>>) target_semaphore(%arg23 : memref<!tpu.dma_semaphore, #tpu.memory_space<semaphore_mem>>)
    %dma_start3A_37 = arith.constant 1 : i32
    %dma_start3A_38 = tpu.memref_slice %arg2[%select_n3A, %dma_start3A_37, %mul3A_32] : memref<8x6x16128xf32, #tpu.memory_space<hbm>> -> memref<1x1x4032xf32, #tpu.memory_space<hbm>>
    %dma_start3A_39 = tpu.memref_squeeze %dma_start3A_38 : memref<1x1x4032xf32, #tpu.memory_space<hbm>> -> memref<4032xf32, #tpu.memory_space<hbm>>
    %dma_start3A_40 = tpu.memref_slice %arg2[%select_n3A, %dma_start3A_37, %mul3A_32] : memref<8x6x16128xf32, #tpu.memory_space<hbm>> -> memref<1x1x4032xf32, #tpu.memory_space<hbm>>
    %dma_start3A_41 = tpu.memref_squeeze %dma_start3A_40 : memref<1x1x4032xf32, #tpu.memory_space<hbm>> -> memref<4032xf32, #tpu.memory_space<hbm>>
    tpu.enqueue_dma source(%dma_start3A_41 : memref<4032xf32, #tpu.memory_space<hbm>>) target(%arg6 : memref<4032xf32, #tpu.memory_space<vmem>>) target_semaphore(%arg24 : memref<!tpu.dma_semaphore, #tpu.memory_space<semaphore_mem>>)
    %dma_start3A_42 = arith.constant 2 : i32
    %dma_start3A_43 = tpu.memref_slice %arg2[%select_n3A, %dma_start3A_42, %mul3A_32] : memref<8x6x16128xf32, #tpu.memory_space<hbm>> -> memref<1x1x4032xf32, #tpu.memory_space<hbm>>
    %dma_start3A_44 = tpu.memref_squeeze %dma_start3A_43 : memref<1x1x4032xf32, #tpu.memory_space<hbm>> -> memref<4032xf32, #tpu.memory_space<hbm>>
    %dma_start3A_45 = tpu.memref_slice %arg2[%select_n3A, %dma_start3A_42, %mul3A_32] : memref<8x6x16128xf32, #tpu.memory_space<hbm>> -> memref<1x1x4032xf32, #tpu.memory_space<hbm>>
    %dma_start3A_46 = tpu.memref_squeeze %dma_start3A_45 : memref<1x1x4032xf32, #tpu.memory_space<hbm>> -> memref<4032xf32, #tpu.memory_space<hbm>>
    tpu.enqueue_dma source(%dma_start3A_46 : memref<4032xf32, #tpu.memory_space<hbm>>) target(%arg7 : memref<4032xf32, #tpu.memory_space<vmem>>) target_semaphore(%arg25 : memref<!tpu.dma_semaphore, #tpu.memory_space<semaphore_mem>>)
    %dma_start3A_47 = arith.constant 3 : i32
    %dma_start3A_48 = tpu.memref_slice %arg2[%select_n3A, %dma_start3A_47, %mul3A_32] : memref<8x6x16128xf32, #tpu.memory_space<hbm>> -> memref<1x1x4032xf32, #tpu.memory_space<hbm>>
    %dma_start3A_49 = tpu.memref_squeeze %dma_start3A_48 : memref<1x1x4032xf32, #tpu.memory_space<hbm>> -> memref<4032xf32, #tpu.memory_space<hbm>>
    %dma_start3A_50 = tpu.memref_slice %arg2[%select_n3A, %dma_start3A_47, %mul3A_32] : memref<8x6x16128xf32, #tpu.memory_space<hbm>> -> memref<1x1x4032xf32, #tpu.memory_space<hbm>>
    %dma_start3A_51 = tpu.memref_squeeze %dma_start3A_50 : memref<1x1x4032xf32, #tpu.memory_space<hbm>> -> memref<4032xf32, #tpu.memory_space<hbm>>
    tpu.enqueue_dma source(%dma_start3A_51 : memref<4032xf32, #tpu.memory_space<hbm>>) target(%arg8 : memref<4032xf32, #tpu.memory_space<vmem>>) target_semaphore(%arg26 : memref<!tpu.dma_semaphore, #tpu.memory_space<semaphore_mem>>)
    %dma_start3A_52 = arith.constant 4 : i32
    %dma_start3A_53 = tpu.memref_slice %arg2[%select_n3A, %dma_start3A_52, %mul3A_32] : memref<8x6x16128xf32, #tpu.memory_space<hbm>> -> memref<1x1x4032xf32, #tpu.memory_space<hbm>>
    %dma_start3A_54 = tpu.memref_squeeze %dma_start3A_53 : memref<1x1x4032xf32, #tpu.memory_space<hbm>> -> memref<4032xf32, #tpu.memory_space<hbm>>
    %dma_start3A_55 = tpu.memref_slice %arg2[%select_n3A, %dma_start3A_52, %mul3A_32] : memref<8x6x16128xf32, #tpu.memory_space<hbm>> -> memref<1x1x4032xf32, #tpu.memory_space<hbm>>
    %dma_start3A_56 = tpu.memref_squeeze %dma_start3A_55 : memref<1x1x4032xf32, #tpu.memory_space<hbm>> -> memref<4032xf32, #tpu.memory_space<hbm>>
    tpu.enqueue_dma source(%dma_start3A_56 : memref<4032xf32, #tpu.memory_space<hbm>>) target(%arg9 : memref<4032xf32, #tpu.memory_space<vmem>>) target_semaphore(%arg27 : memref<!tpu.dma_semaphore, #tpu.memory_space<semaphore_mem>>)
    %dma_start3A_57 = arith.constant 5 : i32
    %dma_start3A_58 = tpu.memref_slice %arg2[%select_n3A, %dma_start3A_57, %mul3A_32] : memref<8x6x16128xf32, #tpu.memory_space<hbm>> -> memref<1x1x4032xf32, #tpu.memory_space<hbm>>
    %dma_start3A_59 = tpu.memref_squeeze %dma_start3A_58 : memref<1x1x4032xf32, #tpu.memory_space<hbm>> -> memref<4032xf32, #tpu.memory_space<hbm>>
    %dma_start3A_60 = tpu.memref_slice %arg2[%select_n3A, %dma_start3A_57, %mul3A_32] : memref<8x6x16128xf32, #tpu.memory_space<hbm>> -> memref<1x1x4032xf32, #tpu.memory_space<hbm>>
    %dma_start3A_61 = tpu.memref_squeeze %dma_start3A_60 : memref<1x1x4032xf32, #tpu.memory_space<hbm>> -> memref<4032xf32, #tpu.memory_space<hbm>>
    tpu.enqueue_dma source(%dma_start3A_61 : memref<4032xf32, #tpu.memory_space<hbm>>) target(%arg10 : memref<4032xf32, #tpu.memory_space<vmem>>) target_semaphore(%arg28 : memref<!tpu.dma_semaphore, #tpu.memory_space<semaphore_mem>>)
    "tpu.region"() ({
      %run_scoped3A = tpu.sem_alloc : memref<!tpu.dma_semaphore, #tpu.memory_space<semaphore_mem>>
      %dma_start3A_221 = arith.constant 0 : i32
      %dma_start3A_222 = tpu.memref_slice %arg3[%select_n3A, %dma_start3A_221] : memref<8x16xf32, #tpu.memory_space<hbm>> -> memref<1x16xf32, #tpu.memory_space<hbm>>
      %dma_start3A_223 = tpu.memref_squeeze %dma_start3A_222 : memref<1x16xf32, #tpu.memory_space<hbm>> -> memref<16xf32, #tpu.memory_space<hbm>>
      %dma_start3A_224 = arith.constant 0 : i32
      %dma_start3A_225 = tpu.memref_slice %arg3[%select_n3A, %dma_start3A_224] : memref<8x16xf32, #tpu.memory_space<hbm>> -> memref<1x16xf32, #tpu.memory_space<hbm>>
      %dma_start3A_226 = tpu.memref_squeeze %dma_start3A_225 : memref<1x16xf32, #tpu.memory_space<hbm>> -> memref<16xf32, #tpu.memory_space<hbm>>
      tpu.enqueue_dma source(%dma_start3A_226 : memref<16xf32, #tpu.memory_space<hbm>>) target(%arg15 : memref<16xf32, #tpu.memory_space<vmem>>) target_semaphore(%run_scoped3A : memref<!tpu.dma_semaphore, #tpu.memory_space<semaphore_mem>>)
      %dma_wait3A_227 = arith.constant 0 : i32
      %dma_wait3A_228 = tpu.memref_slice %arg3[%select_n3A, %dma_wait3A_227] : memref<8x16xf32, #tpu.memory_space<hbm>> -> memref<1x16xf32, #tpu.memory_space<hbm>>
      %dma_wait3A_229 = tpu.memref_squeeze %dma_wait3A_228 : memref<1x16xf32, #tpu.memory_space<hbm>> -> memref<16xf32, #tpu.memory_space<hbm>>
      %dma_wait3A_230 = arith.constant 0 : i32
      %dma_wait3A_231 = tpu.memref_slice %arg3[%select_n3A, %dma_wait3A_230] : memref<8x16xf32, #tpu.memory_space<hbm>> -> memref<1x16xf32, #tpu.memory_space<hbm>>
      %dma_wait3A_232 = tpu.memref_squeeze %dma_wait3A_231 : memref<1x16xf32, #tpu.memory_space<hbm>> -> memref<16xf32, #tpu.memory_space<hbm>>
      tpu.wait_dma2 semaphore(%run_scoped3A : memref<!tpu.dma_semaphore, #tpu.memory_space<semaphore_mem>>) src(%dma_wait3A_232 : memref<16xf32, #tpu.memory_space<hbm>>) dst(%arg15 : memref<16xf32, #tpu.memory_space<vmem>>)
      tpu.yield
    }) : () -> ()
    %get3A = arith.constant 0 : index
    %get3A_62 = tpu.vector_load %arg15[%get3A] {strides = array<i32>} : memref<16xf32, #tpu.memory_space<vmem>>, vector<16xf32>,
    %slice3A = vector.extract_strided_slice %get3A_62 {offsets = [0], sizes = [1], strides = [1]} : vector<16xf32> to vector<1xf32>
    %squeeze3A = vector.extract %slice3A[0] : f32 from vector<1xf32>
    %slice3A_63 = vector.extract_strided_slice %get3A_62 {offsets = [1], sizes = [1], strides = [1]} : vector<16xf32> to vector<1xf32>
    %squeeze3A_64 = vector.extract %slice3A_63[0] : f32 from vector<1xf32>
    %slice3A_65 = vector.extract_strided_slice %get3A_62 {offsets = [2], sizes = [1], strides = [1]} : vector<16xf32> to vector<1xf32>
    %squeeze3A_66 = vector.extract %slice3A_65[0] : f32 from vector<1xf32>
    %slice3A_67 = vector.extract_strided_slice %get3A_62 {offsets = [3], sizes = [1], strides = [1]} : vector<16xf32> to vector<1xf32>
    %squeeze3A_68 = vector.extract %slice3A_67[0] : f32 from vector<1xf32>
    %slice3A_69 = vector.extract_strided_slice %get3A_62 {offsets = [4], sizes = [1], strides = [1]} : vector<16xf32> to vector<1xf32>
    %squeeze3A_70 = vector.extract %slice3A_69[0] : f32 from vector<1xf32>
    %broadcast_in_dim3A = arith.constant -3.000000e+38 : f32
    %broadcast_in_dim3A_71 = vector.broadcast %broadcast_in_dim3A : f32 to vector<16xf32>
    %swap3A = arith.constant 0 : index
    %swap3A_72 = tpu.vector_load %arg13[%swap3A] {strides = array<i32>} : memref<64xf32, #tpu.memory_space<vmem>>, vector<16xf32>,
    tpu.vector_store %arg13[%swap3A], %broadcast_in_dim3A_71 {strides = array<i32>} : memref<64xf32, #tpu.memory_space<vmem>>, vector<16xf32>,
    %swap3A_73 = arith.constant 0 : index
    %swap3A_74 = tpu.vector_load %arg14[%swap3A_73] {strides = array<i32>} : memref<64xf32, #tpu.memory_space<vmem>>, vector<16xf32>,
    tpu.vector_store %arg14[%swap3A_73], %broadcast_in_dim3A_71 {strides = array<i32>} : memref<64xf32, #tpu.memory_space<vmem>>, vector<16xf32>,
    %swap3A_75 = arith.constant 16 : index
    %swap3A_76 = tpu.vector_load %arg13[%swap3A_75] {strides = array<i32>} : memref<64xf32, #tpu.memory_space<vmem>>, vector<16xf32>,
    tpu.vector_store %arg13[%swap3A_75], %broadcast_in_dim3A_71 {strides = array<i32>} : memref<64xf32, #tpu.memory_space<vmem>>, vector<16xf32>,
    %swap3A_77 = arith.constant 16 : index
    %swap3A_78 = tpu.vector_load %arg14[%swap3A_77] {strides = array<i32>} : memref<64xf32, #tpu.memory_space<vmem>>, vector<16xf32>,
    tpu.vector_store %arg14[%swap3A_77], %broadcast_in_dim3A_71 {strides = array<i32>} : memref<64xf32, #tpu.memory_space<vmem>>, vector<16xf32>,
    %swap3A_79 = arith.constant 32 : index
    %swap3A_80 = tpu.vector_load %arg13[%swap3A_79] {strides = array<i32>} : memref<64xf32, #tpu.memory_space<vmem>>, vector<16xf32>,
    tpu.vector_store %arg13[%swap3A_79], %broadcast_in_dim3A_71 {strides = array<i32>} : memref<64xf32, #tpu.memory_space<vmem>>, vector<16xf32>,
    %swap3A_81 = arith.constant 32 : index
    %swap3A_82 = tpu.vector_load %arg14[%swap3A_81] {strides = array<i32>} : memref<64xf32, #tpu.memory_space<vmem>>, vector<16xf32>,
    tpu.vector_store %arg14[%swap3A_81], %broadcast_in_dim3A_71 {strides = array<i32>} : memref<64xf32, #tpu.memory_space<vmem>>, vector<16xf32>,
    %swap3A_83 = arith.constant 48 : index
    %swap3A_84 = tpu.vector_load %arg13[%swap3A_83] {strides = array<i32>} : memref<64xf32, #tpu.memory_space<vmem>>, vector<16xf32>,
    tpu.vector_store %arg13[%swap3A_83], %broadcast_in_dim3A_71 {strides = array<i32>} : memref<64xf32, #tpu.memory_space<vmem>>, vector<16xf32>,
    %swap3A_85 = arith.constant 48 : index
    %swap3A_86 = tpu.vector_load %arg14[%swap3A_85] {strides = array<i32>} : memref<64xf32, #tpu.memory_space<vmem>>, vector<16xf32>,
    tpu.vector_store %arg14[%swap3A_85], %broadcast_in_dim3A_71 {strides = array<i32>} : memref<64xf32, #tpu.memory_space<vmem>>, vector<16xf32>,
    %swap3A_87 = arith.constant 0 : index
    %swap3A_88 = tpu.vector_load %arg16[%swap3A_87] {strides = array<i32>} : memref<32xf32, #tpu.memory_space<vmem>>, vector<16xf32>,
    tpu.vector_store %arg16[%swap3A_87], %broadcast_in_dim3A_71 {strides = array<i32>} : memref<32xf32, #tpu.memory_space<vmem>>, vector<16xf32>,
    %swap3A_89 = arith.constant 0 : index
    %swap3A_90 = tpu.vector_load %arg17[%swap3A_89] {strides = array<i32>} : memref<32xf32, #tpu.memory_space<vmem>>, vector<16xf32>,
    tpu.vector_store %arg17[%swap3A_89], %broadcast_in_dim3A_71 {strides = array<i32>} : memref<32xf32, #tpu.memory_space<vmem>>, vector<16xf32>,
    %swap3A_91 = arith.constant 16 : index
    %swap3A_92 = tpu.vector_load %arg16[%swap3A_91] {strides = array<i32>} : memref<32xf32, #tpu.memory_space<vmem>>, vector<16xf32>,
    tpu.vector_store %arg16[%swap3A_91], %broadcast_in_dim3A_71 {strides = array<i32>} : memref<32xf32, #tpu.memory_space<vmem>>, vector<16xf32>,
    %swap3A_93 = arith.constant 16 : index
    %swap3A_94 = tpu.vector_load %arg17[%swap3A_93] {strides = array<i32>} : memref<32xf32, #tpu.memory_space<vmem>>, vector<16xf32>,
    tpu.vector_store %arg17[%swap3A_93], %broadcast_in_dim3A_71 {strides = array<i32>} : memref<32xf32, #tpu.memory_space<vmem>>, vector<16xf32>,
    %iota3A = tpu.iota {dimensions = array<i32: 0>} : vector<16xi32>
    %eq3A_95 = arith.constant 0 : i32
    %eq3A_96 = vector.broadcast %eq3A_95 : i32 to vector<16xi32>
    %eq3A_97 = arith.cmpi eq, %iota3A, %eq3A_96 : vector<16xi32>
    %dma_wait3A = arith.constant 0 : i32
    %dma_wait3A_98 = tpu.memref_slice %arg2[%select_n3A, %dma_wait3A, %mul3A_32] : memref<8x6x16128xf32, #tpu.memory_space<hbm>> -> memref<1x1x4032xf32, #tpu.memory_space<hbm>>
    %dma_wait3A_99 = tpu.memref_squeeze %dma_wait3A_98 : memref<1x1x4032xf32, #tpu.memory_space<hbm>> -> memref<4032xf32, #tpu.memory_space<hbm>>
    %dma_wait3A_100 = tpu.memref_slice %arg2[%select_n3A, %dma_wait3A, %mul3A_32] : memref<8x6x16128xf32, #tpu.memory_space<hbm>> -> memref<1x1x4032xf32, #tpu.memory_space<hbm>>
    %dma_wait3A_101 = tpu.memref_squeeze %dma_wait3A_100 : memref<1x1x4032xf32, #tpu.memory_space<hbm>> -> memref<4032xf32, #tpu.memory_space<hbm>>
    tpu.wait_dma2 semaphore(%arg23 : memref<!tpu.dma_semaphore, #tpu.memory_space<semaphore_mem>>) src(%dma_wait3A_101 : memref<4032xf32, #tpu.memory_space<hbm>>) dst(%arg5 : memref<4032xf32, #tpu.memory_space<vmem>>)
    %dma_wait3A_102 = arith.constant 1 : i32
    %dma_wait3A_103 = tpu.memref_slice %arg2[%select_n3A, %dma_wait3A_102, %mul3A_32] : memref<8x6x16128xf32, #tpu.memory_space<hbm>> -> memref<1x1x4032xf32, #tpu.memory_space<hbm>>
    %dma_wait3A_104 = tpu.memref_squeeze %dma_wait3A_103 : memref<1x1x4032xf32, #tpu.memory_space<hbm>> -> memref<4032xf32, #tpu.memory_space<hbm>>
    %dma_wait3A_105 = tpu.memref_slice %arg2[%select_n3A, %dma_wait3A_102, %mul3A_32] : memref<8x6x16128xf32, #tpu.memory_space<hbm>> -> memref<1x1x4032xf32, #tpu.memory_space<hbm>>
    %dma_wait3A_106 = tpu.memref_squeeze %dma_wait3A_105 : memref<1x1x4032xf32, #tpu.memory_space<hbm>> -> memref<4032xf32, #tpu.memory_space<hbm>>
    tpu.wait_dma2 semaphore(%arg24 : memref<!tpu.dma_semaphore, #tpu.memory_space<semaphore_mem>>) src(%dma_wait3A_106 : memref<4032xf32, #tpu.memory_space<hbm>>) dst(%arg6 : memref<4032xf32, #tpu.memory_space<vmem>>)
    %dma_wait3A_107 = arith.constant 2 : i32
    %dma_wait3A_108 = tpu.memref_slice %arg2[%select_n3A, %dma_wait3A_107, %mul3A_32] : memref<8x6x16128xf32, #tpu.memory_space<hbm>> -> memref<1x1x4032xf32, #tpu.memory_space<hbm>>
    %dma_wait3A_109 = tpu.memref_squeeze %dma_wait3A_108 : memref<1x1x4032xf32, #tpu.memory_space<hbm>> -> memref<4032xf32, #tpu.memory_space<hbm>>
    %dma_wait3A_110 = tpu.memref_slice %arg2[%select_n3A, %dma_wait3A_107, %mul3A_32] : memref<8x6x16128xf32, #tpu.memory_space<hbm>> -> memref<1x1x4032xf32, #tpu.memory_space<hbm>>
    %dma_wait3A_111 = tpu.memref_squeeze %dma_wait3A_110 : memref<1x1x4032xf32, #tpu.memory_space<hbm>> -> memref<4032xf32, #tpu.memory_space<hbm>>
    tpu.wait_dma2 semaphore(%arg25 : memref<!tpu.dma_semaphore, #tpu.memory_space<semaphore_mem>>) src(%dma_wait3A_111 : memref<4032xf32, #tpu.memory_space<hbm>>) dst(%arg7 : memref<4032xf32, #tpu.memory_space<vmem>>)
    %dma_wait3A_112 = arith.constant 3 : i32
    %dma_wait3A_113 = tpu.memref_slice %arg2[%select_n3A, %dma_wait3A_112, %mul3A_32] : memref<8x6x16128xf32, #tpu.memory_space<hbm>> -> memref<1x1x4032xf32, #tpu.memory_space<hbm>>
    %dma_wait3A_114 = tpu.memref_squeeze %dma_wait3A_113 : memref<1x1x4032xf32, #tpu.memory_space<hbm>> -> memref<4032xf32, #tpu.memory_space<hbm>>
    %dma_wait3A_115 = tpu.memref_slice %arg2[%select_n3A, %dma_wait3A_112, %mul3A_32] : memref<8x6x16128xf32, #tpu.memory_space<hbm>> -> memref<1x1x4032xf32, #tpu.memory_space<hbm>>
    %dma_wait3A_116 = tpu.memref_squeeze %dma_wait3A_115 : memref<1x1x4032xf32, #tpu.memory_space<hbm>> -> memref<4032xf32, #tpu.memory_space<hbm>>
    tpu.wait_dma2 semaphore(%arg26 : memref<!tpu.dma_semaphore, #tpu.memory_space<semaphore_mem>>) src(%dma_wait3A_116 : memref<4032xf32, #tpu.memory_space<hbm>>) dst(%arg8 : memref<4032xf32, #tpu.memory_space<vmem>>)
    %dma_wait3A_117 = arith.constant 4 : i32
    %dma_wait3A_118 = tpu.memref_slice %arg2[%select_n3A, %dma_wait3A_117, %mul3A_32] : memref<8x6x16128xf32, #tpu.memory_space<hbm>> -> memref<1x1x4032xf32, #tpu.memory_space<hbm>>
    %dma_wait3A_119 = tpu.memref_squeeze %dma_wait3A_118 : memref<1x1x4032xf32, #tpu.memory_space<hbm>> -> memref<4032xf32, #tpu.memory_space<hbm>>
    %dma_wait3A_120 = tpu.memref_slice %arg2[%select_n3A, %dma_wait3A_117, %mul3A_32] : memref<8x6x16128xf32, #tpu.memory_space<hbm>> -> memref<1x1x4032xf32, #tpu.memory_space<hbm>>
    %dma_wait3A_121 = tpu.memref_squeeze %dma_wait3A_120 : memref<1x1x4032xf32, #tpu.memory_space<hbm>> -> memref<4032xf32, #tpu.memory_space<hbm>>
    tpu.wait_dma2 semaphore(%arg27 : memref<!tpu.dma_semaphore, #tpu.memory_space<semaphore_mem>>) src(%dma_wait3A_121 : memref<4032xf32, #tpu.memory_space<hbm>>) dst(%arg9 : memref<4032xf32, #tpu.memory_space<vmem>>)
    %dma_wait3A_122 = arith.constant 5 : i32
    %dma_wait3A_123 = tpu.memref_slice %arg2[%select_n3A, %dma_wait3A_122, %mul3A_32] : memref<8x6x16128xf32, #tpu.memory_space<hbm>> -> memref<1x1x4032xf32, #tpu.memory_space<hbm>>
    %dma_wait3A_124 = tpu.memref_squeeze %dma_wait3A_123 : memref<1x1x4032xf32, #tpu.memory_space<hbm>> -> memref<4032xf32, #tpu.memory_space<hbm>>
    %dma_wait3A_125 = tpu.memref_slice %arg2[%select_n3A, %dma_wait3A_122, %mul3A_32] : memref<8x6x16128xf32, #tpu.memory_space<hbm>> -> memref<1x1x4032xf32, #tpu.memory_space<hbm>>
    %dma_wait3A_126 = tpu.memref_squeeze %dma_wait3A_125 : memref<1x1x4032xf32, #tpu.memory_space<hbm>> -> memref<4032xf32, #tpu.memory_space<hbm>>
    tpu.wait_dma2 semaphore(%arg28 : memref<!tpu.dma_semaphore, #tpu.memory_space<semaphore_mem>>) src(%dma_wait3A_126 : memref<4032xf32, #tpu.memory_space<hbm>>) dst(%arg10 : memref<4032xf32, #tpu.memory_space<vmem>>)
    %scan3A = arith.constant 0 : i32
    %scan3A_127 = arith.constant 0 : i32
    %scan3A_128 = arith.constant 63 : i32
    %scan3A_129 = arith.addi %scan3A_127, %scan3A_128 : i32
    %scan3A_130 = arith.constant 1 : i32
    %scan3A_131 = scf.for %scan3A_221 = %scan3A_127 to %scan3A_129 step %scan3A_130 iter_args(%scan3A_222 = %scan3A) -> (i32)  : i32 {
      %mul3A_223 = arith.constant 64 : i32
      %mul3A_224 = arith.muli %scan3A_221, %mul3A_223 : i32
      %add3A_225 = arith.constant 0 : i32
      %add3A_226 = arith.addi %mul3A_224, %add3A_225 : i32
      %get3A_227 = arith.index_cast %add3A_226 : i32 to index
      %get3A_228 = tpu.vector_load %arg5[%get3A_227] {strides = array<i32>} : memref<4032xf32, #tpu.memory_space<vmem>>, vector<16xf32>,
      %get3A_229 = arith.index_cast %add3A_226 : i32 to index
      %get3A_230 = tpu.vector_load %arg6[%get3A_229] {strides = array<i32>} : memref<4032xf32, #tpu.memory_space<vmem>>, vector<16xf32>,
      %get3A_231 = arith.index_cast %add3A_226 : i32 to index
      %get3A_232 = tpu.vector_load %arg7[%get3A_231] {strides = array<i32>} : memref<4032xf32, #tpu.memory_space<vmem>>, vector<16xf32>,
      %get3A_233 = arith.index_cast %add3A_226 : i32 to index
      %get3A_234 = tpu.vector_load %arg8[%get3A_233] {strides = array<i32>} : memref<4032xf32, #tpu.memory_space<vmem>>, vector<16xf32>,
      %get3A_235 = arith.index_cast %add3A_226 : i32 to index
      %get3A_236 = tpu.vector_load %arg9[%get3A_235] {strides = array<i32>} : memref<4032xf32, #tpu.memory_space<vmem>>, vector<16xf32>,
      %get3A_237 = arith.index_cast %add3A_226 : i32 to index
      %get3A_238 = tpu.vector_load %arg10[%get3A_237] {strides = array<i32>} : memref<4032xf32, #tpu.memory_space<vmem>>, vector<16xf32>,
      %mul3A_239 = arith.constant 5.000000e-01 : f32
      %mul3A_240 = vector.broadcast %mul3A_239 : f32 to vector<16xf32>
      %mul3A_241 = arith.mulf %get3A_232, %mul3A_240 : vector<16xf32>
      %sub3A_242 = arith.subf %get3A_228, %mul3A_241 : vector<16xf32>
      %mul3A_243 = arith.constant 5.000000e-01 : f32
      %mul3A_244 = vector.broadcast %mul3A_243 : f32 to vector<16xf32>
      %mul3A_245 = arith.mulf %get3A_232, %mul3A_244 : vector<16xf32>
      %add3A_246 = arith.addf %get3A_228, %mul3A_245 : vector<16xf32>
      %mul3A_247 = arith.constant 5.000000e-01 : f32
      %mul3A_248 = vector.broadcast %mul3A_247 : f32 to vector<16xf32>
      %mul3A_249 = arith.mulf %get3A_234, %mul3A_248 : vector<16xf32>
      %sub3A_250 = arith.subf %get3A_230, %mul3A_249 : vector<16xf32>
      %mul3A_251 = arith.constant 5.000000e-01 : f32
      %mul3A_252 = vector.broadcast %mul3A_251 : f32 to vector<16xf32>
      %mul3A_253 = arith.mulf %get3A_234, %mul3A_252 : vector<16xf32>
      %add3A_254 = arith.addf %get3A_230, %mul3A_253 : vector<16xf32>
      %max3A = vector.broadcast %squeeze3A : f32 to vector<16xf32>
      %max3A_255 = arith.maximumf %max3A, %sub3A_242 : vector<16xf32>
      %max3A_256 = vector.broadcast %squeeze3A_64 : f32 to vector<16xf32>
      %max3A_257 = arith.maximumf %max3A_256, %sub3A_250 : vector<16xf32>
      %min3A = vector.broadcast %squeeze3A_66 : f32 to vector<16xf32>
      %min3A_258 = arith.minimumf %min3A, %add3A_246 : vector<16xf32>
      %min3A_259 = vector.broadcast %squeeze3A_68 : f32 to vector<16xf32>
      %min3A_260 = arith.minimumf %min3A_259, %add3A_254 : vector<16xf32>
      %sub3A_261 = arith.subf %min3A_258, %max3A_255 : vector<16xf32>
      %add3A_262 = arith.constant 1.000000e+00 : f32
      %add3A_263 = vector.broadcast %add3A_262 : f32 to vector<16xf32>
      %add3A_264 = arith.addf %sub3A_261, %add3A_263 : vector<16xf32>
      %max3A_265 = arith.constant 0.000000e+00 : f32
      %max3A_266 = vector.broadcast %max3A_265 : f32 to vector<16xf32>
      %max3A_267 = arith.maximumf %add3A_264, %max3A_266 : vector<16xf32>
      %sub3A_268 = arith.subf %min3A_260, %max3A_257 : vector<16xf32>
      %add3A_269 = arith.constant 1.000000e+00 : f32
      %add3A_270 = vector.broadcast %add3A_269 : f32 to vector<16xf32>
      %add3A_271 = arith.addf %sub3A_268, %add3A_270 : vector<16xf32>
      %max3A_272 = arith.constant 0.000000e+00 : f32
      %max3A_273 = vector.broadcast %max3A_272 : f32 to vector<16xf32>
      %max3A_274 = arith.maximumf %add3A_271, %max3A_273 : vector<16xf32>
      %mul3A_275 = arith.mulf %max3A_267, %max3A_274 : vector<16xf32>
      %sub3A_276 = arith.subf %add3A_246, %sub3A_242 : vector<16xf32>
      %add3A_277 = arith.constant 1.000000e+00 : f32
      %add3A_278 = vector.broadcast %add3A_277 : f32 to vector<16xf32>
      %add3A_279 = arith.addf %sub3A_276, %add3A_278 : vector<16xf32>
      %sub3A_280 = arith.subf %add3A_254, %sub3A_250 : vector<16xf32>
      %add3A_281 = arith.constant 1.000000e+00 : f32
      %add3A_282 = vector.broadcast %add3A_281 : f32 to vector<16xf32>
      %add3A_283 = arith.addf %sub3A_280, %add3A_282 : vector<16xf32>
      %mul3A_284 = arith.mulf %add3A_279, %add3A_283 : vector<16xf32>
      %add3A_285 = vector.broadcast %squeeze3A_70 : f32 to vector<16xf32>
      %add3A_286 = arith.addf %add3A_285, %mul3A_284 : vector<16xf32>
      %sub3A_287 = arith.subf %add3A_286, %mul3A_275 : vector<16xf32>
      %add3A_288 = arith.constant 1.000000e-16 : f32
      %add3A_289 = vector.broadcast %add3A_288 : f32 to vector<16xf32>
      %add3A_290 = arith.addf %sub3A_287, %add3A_289 : vector<16xf32>
      %div3A_291 = arith.divf %mul3A_275, %add3A_290 : vector<16xf32>
      %add3A_292 = arith.addf %get3A_236, %get3A_238 : vector<16xf32>
      %swap3A_293 = arith.index_cast %add3A_226 : i32 to index
      %swap3A_294 = tpu.vector_load %arg11[%swap3A_293] {strides = array<i32>} : memref<4032xf32, #tpu.memory_space<vmem>>, vector<16xf32>,
      tpu.vector_store %arg11[%swap3A_293], %div3A_291 {strides = array<i32>} : memref<4032xf32, #tpu.memory_space<vmem>>, vector<16xf32>,
      %swap3A_295 = arith.index_cast %add3A_226 : i32 to index
      %swap3A_296 = tpu.vector_load %arg12[%swap3A_295] {strides = array<i32>} : memref<4032xf32, #tpu.memory_space<vmem>>, vector<16xf32>,
      tpu.vector_store %arg12[%swap3A_295], %add3A_292 {strides = array<i32>} : memref<4032xf32, #tpu.memory_space<vmem>>, vector<16xf32>,
      %max3A_297 = arith.maximumf %broadcast_in_dim3A_71, %div3A_291 : vector<16xf32>
      %max3A_298 = arith.maximumf %broadcast_in_dim3A_71, %add3A_292 : vector<16xf32>
      %mul3A_299 = arith.constant 64 : i32
      %mul3A_300 = arith.muli %scan3A_221, %mul3A_299 : i32
      %add3A_301 = arith.constant 16 : i32
      %add3A_302 = arith.addi %mul3A_300, %add3A_301 : i32
      %get3A_303 = arith.index_cast %add3A_302 : i32 to index
      %get3A_304 = tpu.vector_load %arg5[%get3A_303] {strides = array<i32>} : memref<4032xf32, #tpu.memory_space<vmem>>, vector<16xf32>,
      %get3A_305 = arith.index_cast %add3A_302 : i32 to index
      %get3A_306 = tpu.vector_load %arg6[%get3A_305] {strides = array<i32>} : memref<4032xf32, #tpu.memory_space<vmem>>, vector<16xf32>,
      %get3A_307 = arith.index_cast %add3A_302 : i32 to index
      %get3A_308 = tpu.vector_load %arg7[%get3A_307] {strides = array<i32>} : memref<4032xf32, #tpu.memory_space<vmem>>, vector<16xf32>,
      %get3A_309 = arith.index_cast %add3A_302 : i32 to index
      %get3A_310 = tpu.vector_load %arg8[%get3A_309] {strides = array<i32>} : memref<4032xf32, #tpu.memory_space<vmem>>, vector<16xf32>,
      %get3A_311 = arith.index_cast %add3A_302 : i32 to index
      %get3A_312 = tpu.vector_load %arg9[%get3A_311] {strides = array<i32>} : memref<4032xf32, #tpu.memory_space<vmem>>, vector<16xf32>,
      %get3A_313 = arith.index_cast %add3A_302 : i32 to index
      %get3A_314 = tpu.vector_load %arg10[%get3A_313] {strides = array<i32>} : memref<4032xf32, #tpu.memory_space<vmem>>, vector<16xf32>,
      %mul3A_315 = arith.constant 5.000000e-01 : f32
      %mul3A_316 = vector.broadcast %mul3A_315 : f32 to vector<16xf32>
      %mul3A_317 = arith.mulf %get3A_308, %mul3A_316 : vector<16xf32>
      %sub3A_318 = arith.subf %get3A_304, %mul3A_317 : vector<16xf32>
      %mul3A_319 = arith.constant 5.000000e-01 : f32
      %mul3A_320 = vector.broadcast %mul3A_319 : f32 to vector<16xf32>
      %mul3A_321 = arith.mulf %get3A_308, %mul3A_320 : vector<16xf32>
      %add3A_322 = arith.addf %get3A_304, %mul3A_321 : vector<16xf32>
      %mul3A_323 = arith.constant 5.000000e-01 : f32
      %mul3A_324 = vector.broadcast %mul3A_323 : f32 to vector<16xf32>
      %mul3A_325 = arith.mulf %get3A_310, %mul3A_324 : vector<16xf32>
      %sub3A_326 = arith.subf %get3A_306, %mul3A_325 : vector<16xf32>
      %mul3A_327 = arith.constant 5.000000e-01 : f32
      %mul3A_328 = vector.broadcast %mul3A_327 : f32 to vector<16xf32>
      %mul3A_329 = arith.mulf %get3A_310, %mul3A_328 : vector<16xf32>
      %add3A_330 = arith.addf %get3A_306, %mul3A_329 : vector<16xf32>
      %max3A_331 = vector.broadcast %squeeze3A : f32 to vector<16xf32>
      %max3A_332 = arith.maximumf %max3A_331, %sub3A_318 : vector<16xf32>
      %max3A_333 = vector.broadcast %squeeze3A_64 : f32 to vector<16xf32>
      %max3A_334 = arith.maximumf %max3A_333, %sub3A_326 : vector<16xf32>
      %min3A_335 = vector.broadcast %squeeze3A_66 : f32 to vector<16xf32>
      %min3A_336 = arith.minimumf %min3A_335, %add3A_322 : vector<16xf32>
      %min3A_337 = vector.broadcast %squeeze3A_68 : f32 to vector<16xf32>
      %min3A_338 = arith.minimumf %min3A_337, %add3A_330 : vector<16xf32>
      %sub3A_339 = arith.subf %min3A_336, %max3A_332 : vector<16xf32>
      %add3A_340 = arith.constant 1.000000e+00 : f32
      %add3A_341 = vector.broadcast %add3A_340 : f32 to vector<16xf32>
      %add3A_342 = arith.addf %sub3A_339, %add3A_341 : vector<16xf32>
      %max3A_343 = arith.constant 0.000000e+00 : f32
      %max3A_344 = vector.broadcast %max3A_343 : f32 to vector<16xf32>
      %max3A_345 = arith.maximumf %add3A_342, %max3A_344 : vector<16xf32>
      %sub3A_346 = arith.subf %min3A_338, %max3A_334 : vector<16xf32>
      %add3A_347 = arith.constant 1.000000e+00 : f32
      %add3A_348 = vector.broadcast %add3A_347 : f32 to vector<16xf32>
      %add3A_349 = arith.addf %sub3A_346, %add3A_348 : vector<16xf32>
      %max3A_350 = arith.constant 0.000000e+00 : f32
      %max3A_351 = vector.broadcast %max3A_350 : f32 to vector<16xf32>
      %max3A_352 = arith.maximumf %add3A_349, %max3A_351 : vector<16xf32>
      %mul3A_353 = arith.mulf %max3A_345, %max3A_352 : vector<16xf32>
      %sub3A_354 = arith.subf %add3A_322, %sub3A_318 : vector<16xf32>
      %add3A_355 = arith.constant 1.000000e+00 : f32
      %add3A_356 = vector.broadcast %add3A_355 : f32 to vector<16xf32>
      %add3A_357 = arith.addf %sub3A_354, %add3A_356 : vector<16xf32>
      %sub3A_358 = arith.subf %add3A_330, %sub3A_326 : vector<16xf32>
      %add3A_359 = arith.constant 1.000000e+00 : f32
      %add3A_360 = vector.broadcast %add3A_359 : f32 to vector<16xf32>
      %add3A_361 = arith.addf %sub3A_358, %add3A_360 : vector<16xf32>
      %mul3A_362 = arith.mulf %add3A_357, %add3A_361 : vector<16xf32>
      %add3A_363 = vector.broadcast %squeeze3A_70 : f32 to vector<16xf32>
      %add3A_364 = arith.addf %add3A_363, %mul3A_362 : vector<16xf32>
      %sub3A_365 = arith.subf %add3A_364, %mul3A_353 : vector<16xf32>
      %add3A_366 = arith.constant 1.000000e-16 : f32
      %add3A_367 = vector.broadcast %add3A_366 : f32 to vector<16xf32>
      %add3A_368 = arith.addf %sub3A_365, %add3A_367 : vector<16xf32>
      %div3A_369 = arith.divf %mul3A_353, %add3A_368 : vector<16xf32>
      %add3A_370 = arith.addf %get3A_312, %get3A_314 : vector<16xf32>
      %swap3A_371 = arith.index_cast %add3A_302 : i32 to index
      %swap3A_372 = tpu.vector_load %arg11[%swap3A_371] {strides = array<i32>} : memref<4032xf32, #tpu.memory_space<vmem>>, vector<16xf32>,
      tpu.vector_store %arg11[%swap3A_371], %div3A_369 {strides = array<i32>} : memref<4032xf32, #tpu.memory_space<vmem>>, vector<16xf32>,
      %swap3A_373 = arith.index_cast %add3A_302 : i32 to index
      %swap3A_374 = tpu.vector_load %arg12[%swap3A_373] {strides = array<i32>} : memref<4032xf32, #tpu.memory_space<vmem>>, vector<16xf32>,
      tpu.vector_store %arg12[%swap3A_373], %add3A_370 {strides = array<i32>} : memref<4032xf32, #tpu.memory_space<vmem>>, vector<16xf32>,
      %max3A_375 = arith.maximumf %max3A_297, %div3A_369 : vector<16xf32>
      %max3A_376 = arith.maximumf %max3A_298, %add3A_370 : vector<16xf32>
      %mul3A_377 = arith.constant 64 : i32
      %mul3A_378 = arith.muli %scan3A_221, %mul3A_377 : i32
      %add3A_379 = arith.constant 32 : i32
      %add3A_380 = arith.addi %mul3A_378, %add3A_379 : i32
      %get3A_381 = arith.index_cast %add3A_380 : i32 to index
      %get3A_382 = tpu.vector_load %arg5[%get3A_381] {strides = array<i32>} : memref<4032xf32, #tpu.memory_space<vmem>>, vector<16xf32>,
      %get3A_383 = arith.index_cast %add3A_380 : i32 to index
      %get3A_384 = tpu.vector_load %arg6[%get3A_383] {strides = array<i32>} : memref<4032xf32, #tpu.memory_space<vmem>>, vector<16xf32>,
      %get3A_385 = arith.index_cast %add3A_380 : i32 to index
      %get3A_386 = tpu.vector_load %arg7[%get3A_385] {strides = array<i32>} : memref<4032xf32, #tpu.memory_space<vmem>>, vector<16xf32>,
      %get3A_387 = arith.index_cast %add3A_380 : i32 to index
      %get3A_388 = tpu.vector_load %arg8[%get3A_387] {strides = array<i32>} : memref<4032xf32, #tpu.memory_space<vmem>>, vector<16xf32>,
      %get3A_389 = arith.index_cast %add3A_380 : i32 to index
      %get3A_390 = tpu.vector_load %arg9[%get3A_389] {strides = array<i32>} : memref<4032xf32, #tpu.memory_space<vmem>>, vector<16xf32>,
      %get3A_391 = arith.index_cast %add3A_380 : i32 to index
      %get3A_392 = tpu.vector_load %arg10[%get3A_391] {strides = array<i32>} : memref<4032xf32, #tpu.memory_space<vmem>>, vector<16xf32>,
      %mul3A_393 = arith.constant 5.000000e-01 : f32
      %mul3A_394 = vector.broadcast %mul3A_393 : f32 to vector<16xf32>
      %mul3A_395 = arith.mulf %get3A_386, %mul3A_394 : vector<16xf32>
      %sub3A_396 = arith.subf %get3A_382, %mul3A_395 : vector<16xf32>
      %mul3A_397 = arith.constant 5.000000e-01 : f32
      %mul3A_398 = vector.broadcast %mul3A_397 : f32 to vector<16xf32>
      %mul3A_399 = arith.mulf %get3A_386, %mul3A_398 : vector<16xf32>
      %add3A_400 = arith.addf %get3A_382, %mul3A_399 : vector<16xf32>
      %mul3A_401 = arith.constant 5.000000e-01 : f32
      %mul3A_402 = vector.broadcast %mul3A_401 : f32 to vector<16xf32>
      %mul3A_403 = arith.mulf %get3A_388, %mul3A_402 : vector<16xf32>
      %sub3A_404 = arith.subf %get3A_384, %mul3A_403 : vector<16xf32>
      %mul3A_405 = arith.constant 5.000000e-01 : f32
      %mul3A_406 = vector.broadcast %mul3A_405 : f32 to vector<16xf32>
      %mul3A_407 = arith.mulf %get3A_388, %mul3A_406 : vector<16xf32>
      %add3A_408 = arith.addf %get3A_384, %mul3A_407 : vector<16xf32>
      %max3A_409 = vector.broadcast %squeeze3A : f32 to vector<16xf32>
      %max3A_410 = arith.maximumf %max3A_409, %sub3A_396 : vector<16xf32>
      %max3A_411 = vector.broadcast %squeeze3A_64 : f32 to vector<16xf32>
      %max3A_412 = arith.maximumf %max3A_411, %sub3A_404 : vector<16xf32>
      %min3A_413 = vector.broadcast %squeeze3A_66 : f32 to vector<16xf32>
      %min3A_414 = arith.minimumf %min3A_413, %add3A_400 : vector<16xf32>
      %min3A_415 = vector.broadcast %squeeze3A_68 : f32 to vector<16xf32>
      %min3A_416 = arith.minimumf %min3A_415, %add3A_408 : vector<16xf32>
      %sub3A_417 = arith.subf %min3A_414, %max3A_410 : vector<16xf32>
      %add3A_418 = arith.constant 1.000000e+00 : f32
      %add3A_419 = vector.broadcast %add3A_418 : f32 to vector<16xf32>
      %add3A_420 = arith.addf %sub3A_417, %add3A_419 : vector<16xf32>
      %max3A_421 = arith.constant 0.000000e+00 : f32
      %max3A_422 = vector.broadcast %max3A_421 : f32 to vector<16xf32>
      %max3A_423 = arith.maximumf %add3A_420, %max3A_422 : vector<16xf32>
      %sub3A_424 = arith.subf %min3A_416, %max3A_412 : vector<16xf32>
      %add3A_425 = arith.constant 1.000000e+00 : f32
      %add3A_426 = vector.broadcast %add3A_425 : f32 to vector<16xf32>
      %add3A_427 = arith.addf %sub3A_424, %add3A_426 : vector<16xf32>
      %max3A_428 = arith.constant 0.000000e+00 : f32
      %max3A_429 = vector.broadcast %max3A_428 : f32 to vector<16xf32>
      %max3A_430 = arith.maximumf %add3A_427, %max3A_429 : vector<16xf32>
      %mul3A_431 = arith.mulf %max3A_423, %max3A_430 : vector<16xf32>
      %sub3A_432 = arith.subf %add3A_400, %sub3A_396 : vector<16xf32>
      %add3A_433 = arith.constant 1.000000e+00 : f32
      %add3A_434 = vector.broadcast %add3A_433 : f32 to vector<16xf32>
      %add3A_435 = arith.addf %sub3A_432, %add3A_434 : vector<16xf32>
      %sub3A_436 = arith.subf %add3A_408, %sub3A_404 : vector<16xf32>
      %add3A_437 = arith.constant 1.000000e+00 : f32
      %add3A_438 = vector.broadcast %add3A_437 : f32 to vector<16xf32>
      %add3A_439 = arith.addf %sub3A_436, %add3A_438 : vector<16xf32>
      %mul3A_440 = arith.mulf %add3A_435, %add3A_439 : vector<16xf32>
      %add3A_441 = vector.broadcast %squeeze3A_70 : f32 to vector<16xf32>
      %add3A_442 = arith.addf %add3A_441, %mul3A_440 : vector<16xf32>
      %sub3A_443 = arith.subf %add3A_442, %mul3A_431 : vector<16xf32>
      %add3A_444 = arith.constant 1.000000e-16 : f32
      %add3A_445 = vector.broadcast %add3A_444 : f32 to vector<16xf32>
      %add3A_446 = arith.addf %sub3A_443, %add3A_445 : vector<16xf32>
      %div3A_447 = arith.divf %mul3A_431, %add3A_446 : vector<16xf32>
      %add3A_448 = arith.addf %get3A_390, %get3A_392 : vector<16xf32>
      %swap3A_449 = arith.index_cast %add3A_380 : i32 to index
      %swap3A_450 = tpu.vector_load %arg11[%swap3A_449] {strides = array<i32>} : memref<4032xf32, #tpu.memory_space<vmem>>, vector<16xf32>,
      tpu.vector_store %arg11[%swap3A_449], %div3A_447 {strides = array<i32>} : memref<4032xf32, #tpu.memory_space<vmem>>, vector<16xf32>,
      %swap3A_451 = arith.index_cast %add3A_380 : i32 to index
      %swap3A_452 = tpu.vector_load %arg12[%swap3A_451] {strides = array<i32>} : memref<4032xf32, #tpu.memory_space<vmem>>, vector<16xf32>,
      tpu.vector_store %arg12[%swap3A_451], %add3A_448 {strides = array<i32>} : memref<4032xf32, #tpu.memory_space<vmem>>, vector<16xf32>,
      %max3A_453 = arith.maximumf %max3A_375, %div3A_447 : vector<16xf32>
      %max3A_454 = arith.maximumf %max3A_376, %add3A_448 : vector<16xf32>
      %mul3A_455 = arith.constant 64 : i32
      %mul3A_456 = arith.muli %scan3A_221, %mul3A_455 : i32
      %add3A_457 = arith.constant 48 : i32
      %add3A_458 = arith.addi %mul3A_456, %add3A_457 : i32
      %get3A_459 = arith.index_cast %add3A_458 : i32 to index
      %get3A_460 = tpu.vector_load %arg5[%get3A_459] {strides = array<i32>} : memref<4032xf32, #tpu.memory_space<vmem>>, vector<16xf32>,
      %get3A_461 = arith.index_cast %add3A_458 : i32 to index
      %get3A_462 = tpu.vector_load %arg6[%get3A_461] {strides = array<i32>} : memref<4032xf32, #tpu.memory_space<vmem>>, vector<16xf32>,
      %get3A_463 = arith.index_cast %add3A_458 : i32 to index
      %get3A_464 = tpu.vector_load %arg7[%get3A_463] {strides = array<i32>} : memref<4032xf32, #tpu.memory_space<vmem>>, vector<16xf32>,
      %get3A_465 = arith.index_cast %add3A_458 : i32 to index
      %get3A_466 = tpu.vector_load %arg8[%get3A_465] {strides = array<i32>} : memref<4032xf32, #tpu.memory_space<vmem>>, vector<16xf32>,
      %get3A_467 = arith.index_cast %add3A_458 : i32 to index
      %get3A_468 = tpu.vector_load %arg9[%get3A_467] {strides = array<i32>} : memref<4032xf32, #tpu.memory_space<vmem>>, vector<16xf32>,
      %get3A_469 = arith.index_cast %add3A_458 : i32 to index
      %get3A_470 = tpu.vector_load %arg10[%get3A_469] {strides = array<i32>} : memref<4032xf32, #tpu.memory_space<vmem>>, vector<16xf32>,
      %mul3A_471 = arith.constant 5.000000e-01 : f32
      %mul3A_472 = vector.broadcast %mul3A_471 : f32 to vector<16xf32>
      %mul3A_473 = arith.mulf %get3A_464, %mul3A_472 : vector<16xf32>
      %sub3A_474 = arith.subf %get3A_460, %mul3A_473 : vector<16xf32>
      %mul3A_475 = arith.constant 5.000000e-01 : f32
      %mul3A_476 = vector.broadcast %mul3A_475 : f32 to vector<16xf32>
      %mul3A_477 = arith.mulf %get3A_464, %mul3A_476 : vector<16xf32>
      %add3A_478 = arith.addf %get3A_460, %mul3A_477 : vector<16xf32>
      %mul3A_479 = arith.constant 5.000000e-01 : f32
      %mul3A_480 = vector.broadcast %mul3A_479 : f32 to vector<16xf32>
      %mul3A_481 = arith.mulf %get3A_466, %mul3A_480 : vector<16xf32>
      %sub3A_482 = arith.subf %get3A_462, %mul3A_481 : vector<16xf32>
      %mul3A_483 = arith.constant 5.000000e-01 : f32
      %mul3A_484 = vector.broadcast %mul3A_483 : f32 to vector<16xf32>
      %mul3A_485 = arith.mulf %get3A_466, %mul3A_484 : vector<16xf32>
      %add3A_486 = arith.addf %get3A_462, %mul3A_485 : vector<16xf32>
      %max3A_487 = vector.broadcast %squeeze3A : f32 to vector<16xf32>
      %max3A_488 = arith.maximumf %max3A_487, %sub3A_474 : vector<16xf32>
      %max3A_489 = vector.broadcast %squeeze3A_64 : f32 to vector<16xf32>
      %max3A_490 = arith.maximumf %max3A_489, %sub3A_482 : vector<16xf32>
      %min3A_491 = vector.broadcast %squeeze3A_66 : f32 to vector<16xf32>
      %min3A_492 = arith.minimumf %min3A_491, %add3A_478 : vector<16xf32>
      %min3A_493 = vector.broadcast %squeeze3A_68 : f32 to vector<16xf32>
      %min3A_494 = arith.minimumf %min3A_493, %add3A_486 : vector<16xf32>
      %sub3A_495 = arith.subf %min3A_492, %max3A_488 : vector<16xf32>
      %add3A_496 = arith.constant 1.000000e+00 : f32
      %add3A_497 = vector.broadcast %add3A_496 : f32 to vector<16xf32>
      %add3A_498 = arith.addf %sub3A_495, %add3A_497 : vector<16xf32>
      %max3A_499 = arith.constant 0.000000e+00 : f32
      %max3A_500 = vector.broadcast %max3A_499 : f32 to vector<16xf32>
      %max3A_501 = arith.maximumf %add3A_498, %max3A_500 : vector<16xf32>
      %sub3A_502 = arith.subf %min3A_494, %max3A_490 : vector<16xf32>
      %add3A_503 = arith.constant 1.000000e+00 : f32
      %add3A_504 = vector.broadcast %add3A_503 : f32 to vector<16xf32>
      %add3A_505 = arith.addf %sub3A_502, %add3A_504 : vector<16xf32>
      %max3A_506 = arith.constant 0.000000e+00 : f32
      %max3A_507 = vector.broadcast %max3A_506 : f32 to vector<16xf32>
      %max3A_508 = arith.maximumf %add3A_505, %max3A_507 : vector<16xf32>
      %mul3A_509 = arith.mulf %max3A_501, %max3A_508 : vector<16xf32>
      %sub3A_510 = arith.subf %add3A_478, %sub3A_474 : vector<16xf32>
      %add3A_511 = arith.constant 1.000000e+00 : f32
      %add3A_512 = vector.broadcast %add3A_511 : f32 to vector<16xf32>
      %add3A_513 = arith.addf %sub3A_510, %add3A_512 : vector<16xf32>
      %sub3A_514 = arith.subf %add3A_486, %sub3A_482 : vector<16xf32>
      %add3A_515 = arith.constant 1.000000e+00 : f32
      %add3A_516 = vector.broadcast %add3A_515 : f32 to vector<16xf32>
      %add3A_517 = arith.addf %sub3A_514, %add3A_516 : vector<16xf32>
      %mul3A_518 = arith.mulf %add3A_513, %add3A_517 : vector<16xf32>
      %add3A_519 = vector.broadcast %squeeze3A_70 : f32 to vector<16xf32>
      %add3A_520 = arith.addf %add3A_519, %mul3A_518 : vector<16xf32>
      %sub3A_521 = arith.subf %add3A_520, %mul3A_509 : vector<16xf32>
      %add3A_522 = arith.constant 1.000000e-16 : f32
      %add3A_523 = vector.broadcast %add3A_522 : f32 to vector<16xf32>
      %add3A_524 = arith.addf %sub3A_521, %add3A_523 : vector<16xf32>
      %div3A_525 = arith.divf %mul3A_509, %add3A_524 : vector<16xf32>
      %add3A_526 = arith.addf %get3A_468, %get3A_470 : vector<16xf32>
      %swap3A_527 = arith.index_cast %add3A_458 : i32 to index
      %swap3A_528 = tpu.vector_load %arg11[%swap3A_527] {strides = array<i32>} : memref<4032xf32, #tpu.memory_space<vmem>>, vector<16xf32>,
      tpu.vector_store %arg11[%swap3A_527], %div3A_525 {strides = array<i32>} : memref<4032xf32, #tpu.memory_space<vmem>>, vector<16xf32>,
      %swap3A_529 = arith.index_cast %add3A_458 : i32 to index
      %swap3A_530 = tpu.vector_load %arg12[%swap3A_529] {strides = array<i32>} : memref<4032xf32, #tpu.memory_space<vmem>>, vector<16xf32>,
      tpu.vector_store %arg12[%swap3A_529], %add3A_526 {strides = array<i32>} : memref<4032xf32, #tpu.memory_space<vmem>>, vector<16xf32>,
      %max3A_531 = arith.maximumf %max3A_453, %div3A_525 : vector<16xf32>
      %max3A_532 = arith.maximumf %max3A_454, %add3A_526 : vector<16xf32>
      %broadcast_in_dim3A_533 = vector.broadcast %scan3A_221 : i32 to vector<16xi32>
      %reduce_max3A = arith.constant true
      %reduce_max3A_534 = vector.broadcast %reduce_max3A : i1 to vector<16xi1>
      %reduce_max3A_535 = tpu.scan <max>, %max3A_531 masked %reduce_max3A_534 : vector<16xf32>, vector<16xi1> -> vector<16xf32>
      %reduce_max3A_536 = vector.extract %reduce_max3A_535[15] : f32 from vector<16xf32>
      %broadcast_in_dim3A_537 = vector.broadcast %reduce_max3A_536 : f32 to vector<16xf32>
      tpu.vector_store_idx %arg13[%broadcast_in_dim3A_533], %broadcast_in_dim3A_537 masked %eq3A_97 : memref<64xf32, #tpu.memory_space<vmem>>[vector<16xi32>], vector<16xf32>, vector<16xi1>
      %reduce_max3A_538 = arith.constant true
      %reduce_max3A_539 = vector.broadcast %reduce_max3A_538 : i1 to vector<16xi1>
      %reduce_max3A_540 = tpu.scan <max>, %max3A_532 masked %reduce_max3A_539 : vector<16xf32>, vector<16xi1> -> vector<16xf32>
      %reduce_max3A_541 = vector.extract %reduce_max3A_540[15] : f32 from vector<16xf32>
      %broadcast_in_dim3A_542 = vector.broadcast %reduce_max3A_541 : f32 to vector<16xf32>
      tpu.vector_store_idx %arg14[%broadcast_in_dim3A_533], %broadcast_in_dim3A_542 masked %eq3A_97 : memref<64xf32, #tpu.memory_space<vmem>>[vector<16xi32>], vector<16xf32>, vector<16xi1>
      %scan3A_543 = arith.constant 0 : i32
      scf.yield %scan3A_543 : i32
    }
    %scan3A_132 = arith.constant 63 : i32
    %scan3A_133 = arith.constant 0.000000e+00 : f32
    %scan3A_134 = arith.constant 0 : i32
    %scan3A_135 = arith.constant 20 : i32
    %scan3A_136 = arith.addi %scan3A_134, %scan3A_135 : i32
    %scan3A_137 = arith.constant 1 : i32
    %scan3A_138 = scf.for %scan3A_221 = %scan3A_134 to %scan3A_136 step %scan3A_137 iter_args(%scan3A_222 = %scan3A_133) -> (f32)  : i32 {
      %get3A_223 = arith.constant 0 : index
      %get3A_224 = tpu.vector_load %arg13[%get3A_223] {strides = array<i32>} : memref<64xf32, #tpu.memory_space<vmem>>, vector<16xf32>,
      %get3A_225 = arith.constant 16 : index
      %get3A_226 = tpu.vector_load %arg13[%get3A_225] {strides = array<i32>} : memref<64xf32, #tpu.memory_space<vmem>>, vector<16xf32>,
      %get3A_227 = arith.constant 32 : index
      %get3A_228 = tpu.vector_load %arg13[%get3A_227] {strides = array<i32>} : memref<64xf32, #tpu.memory_space<vmem>>, vector<16xf32>,
      %get3A_229 = arith.constant 48 : index
      %get3A_230 = tpu.vector_load %arg13[%get3A_229] {strides = array<i32>} : memref<64xf32, #tpu.memory_space<vmem>>, vector<16xf32>,
      %max3A = arith.maximumf %get3A_224, %get3A_226 : vector<16xf32>
      %max3A_231 = arith.maximumf %get3A_228, %get3A_230 : vector<16xf32>
      %max3A_232 = arith.maximumf %max3A, %max3A_231 : vector<16xf32>
      %reduce_max3A = arith.constant true
      %reduce_max3A_233 = vector.broadcast %reduce_max3A : i1 to vector<16xi1>
      %reduce_max3A_234 = tpu.scan <max>, %max3A_232 masked %reduce_max3A_233 : vector<16xf32>, vector<16xi1> -> vector<16xf32>
      %reduce_max3A_235 = vector.extract %reduce_max3A_234[15] : f32 from vector<16xf32>
      %iota3A_236 = tpu.iota {dimensions = array<i32: 0>} : vector<16xi32>
      %eq3A_237 = vector.broadcast %reduce_max3A_235 : f32 to vector<16xf32>
      %eq3A_238 = arith.cmpf oeq, %get3A_224, %eq3A_237 : vector<16xf32>
      %jit3A_239 = arith.constant 64 : i32
      %broadcast_in_dim3A_240 = vector.broadcast %jit3A_239 : i32 to vector<16xi32>
      %select_n3A_241 = arith.select %eq3A_238, %iota3A_236, %broadcast_in_dim3A_240 : vector<16xi1>, vector<16xi32>
      %eq3A_242 = vector.broadcast %reduce_max3A_235 : f32 to vector<16xf32>
      %eq3A_243 = arith.cmpf oeq, %get3A_226, %eq3A_242 : vector<16xf32>
      %add3A_244 = arith.constant 16 : i32
      %add3A_245 = vector.broadcast %add3A_244 : i32 to vector<16xi32>
      %add3A_246 = arith.addi %iota3A_236, %add3A_245 : vector<16xi32>
      %jit3A_247 = arith.constant 64 : i32
      %broadcast_in_dim3A_248 = vector.broadcast %jit3A_247 : i32 to vector<16xi32>
      %select_n3A_249 = arith.select %eq3A_243, %add3A_246, %broadcast_in_dim3A_248 : vector<16xi1>, vector<16xi32>
      %min3A = arith.minsi %select_n3A_241, %select_n3A_249 : vector<16xi32>
      %eq3A_250 = vector.broadcast %reduce_max3A_235 : f32 to vector<16xf32>
      %eq3A_251 = arith.cmpf oeq, %get3A_228, %eq3A_250 : vector<16xf32>
      %add3A_252 = arith.constant 32 : i32
      %add3A_253 = vector.broadcast %add3A_252 : i32 to vector<16xi32>
      %add3A_254 = arith.addi %iota3A_236, %add3A_253 : vector<16xi32>
      %jit3A_255 = arith.constant 64 : i32
      %broadcast_in_dim3A_256 = vector.broadcast %jit3A_255 : i32 to vector<16xi32>
      %select_n3A_257 = arith.select %eq3A_251, %add3A_254, %broadcast_in_dim3A_256 : vector<16xi1>, vector<16xi32>
      %eq3A_258 = vector.broadcast %reduce_max3A_235 : f32 to vector<16xf32>
      %eq3A_259 = arith.cmpf oeq, %get3A_230, %eq3A_258 : vector<16xf32>
      %add3A_260 = arith.constant 48 : i32
      %add3A_261 = vector.broadcast %add3A_260 : i32 to vector<16xi32>
      %add3A_262 = arith.addi %iota3A_236, %add3A_261 : vector<16xi32>
      %jit3A_263 = arith.constant 64 : i32
      %broadcast_in_dim3A_264 = vector.broadcast %jit3A_263 : i32 to vector<16xi32>
      %select_n3A_265 = arith.select %eq3A_259, %add3A_262, %broadcast_in_dim3A_264 : vector<16xi1>, vector<16xi32>
      %min3A_266 = arith.minsi %select_n3A_257, %select_n3A_265 : vector<16xi32>
      %min3A_267 = arith.minsi %min3A, %min3A_266 : vector<16xi32>
      %reduce_min3A = arith.constant true
      %reduce_min3A_268 = vector.broadcast %reduce_min3A : i1 to vector<16xi1>
      %reduce_min3A_269 = arith.constant -2147483648 : i32
      %reduce_min3A_270 = vector.broadcast %reduce_min3A_269 : i32 to vector<16xi32>
      %reduce_min3A_271 = arith.xori %min3A_267, %reduce_min3A_270 : vector<16xi32>
      %reduce_min3A_272 = tpu.scan <min>, %reduce_min3A_271 masked %reduce_min3A_268 : vector<16xi32>, vector<16xi1> -> vector<16xi32>
      %reduce_min3A_273 = arith.xori %reduce_min3A_272, %reduce_min3A_270 : vector<16xi32>
      %reduce_min3A_274 = vector.extract %reduce_min3A_273[15] : i32 from vector<16xi32>
      %iota3A_275 = tpu.iota {dimensions = array<i32: 0>} : vector<16xi32>
      %mul3A_276 = arith.constant 64 : i32
      %mul3A_277 = arith.muli %reduce_min3A_274, %mul3A_276 : i32
      %add3A_278 = arith.constant 0 : i32
      %add3A_279 = arith.addi %mul3A_277, %add3A_278 : i32
      %get3A_280 = arith.index_cast %add3A_279 : i32 to index
      %get3A_281 = tpu.vector_load %arg11[%get3A_280] {strides = array<i32>} : memref<4032xf32, #tpu.memory_space<vmem>>, vector<16xf32>,
      %add3A_282 = arith.constant 16 : i32
      %add3A_283 = arith.addi %mul3A_277, %add3A_282 : i32
      %get3A_284 = arith.index_cast %add3A_283 : i32 to index
      %get3A_285 = tpu.vector_load %arg11[%get3A_284] {strides = array<i32>} : memref<4032xf32, #tpu.memory_space<vmem>>, vector<16xf32>,
      %add3A_286 = arith.constant 32 : i32
      %add3A_287 = arith.addi %mul3A_277, %add3A_286 : i32
      %get3A_288 = arith.index_cast %add3A_287 : i32 to index
      %get3A_289 = tpu.vector_load %arg11[%get3A_288] {strides = array<i32>} : memref<4032xf32, #tpu.memory_space<vmem>>, vector<16xf32>,
      %add3A_290 = arith.constant 48 : i32
      %add3A_291 = arith.addi %mul3A_277, %add3A_290 : i32
      %get3A_292 = arith.index_cast %add3A_291 : i32 to index
      %get3A_293 = tpu.vector_load %arg11[%get3A_292] {strides = array<i32>} : memref<4032xf32, #tpu.memory_space<vmem>>, vector<16xf32>,
      %eq3A_294 = vector.broadcast %reduce_max3A_235 : f32 to vector<16xf32>
      %eq3A_295 = arith.cmpf oeq, %get3A_281, %eq3A_294 : vector<16xf32>
      %jit3A_296 = arith.constant 64 : i32
      %broadcast_in_dim3A_297 = vector.broadcast %jit3A_296 : i32 to vector<16xi32>
      %select_n3A_298 = arith.select %eq3A_295, %iota3A_275, %broadcast_in_dim3A_297 : vector<16xi1>, vector<16xi32>
      %eq3A_299 = vector.broadcast %reduce_max3A_235 : f32 to vector<16xf32>
      %eq3A_300 = arith.cmpf oeq, %get3A_285, %eq3A_299 : vector<16xf32>
      %add3A_301 = arith.constant 16 : i32
      %add3A_302 = vector.broadcast %add3A_301 : i32 to vector<16xi32>
      %add3A_303 = arith.addi %iota3A_275, %add3A_302 : vector<16xi32>
      %jit3A_304 = arith.constant 64 : i32
      %broadcast_in_dim3A_305 = vector.broadcast %jit3A_304 : i32 to vector<16xi32>
      %select_n3A_306 = arith.select %eq3A_300, %add3A_303, %broadcast_in_dim3A_305 : vector<16xi1>, vector<16xi32>
      %min3A_307 = arith.minsi %select_n3A_298, %select_n3A_306 : vector<16xi32>
      %eq3A_308 = vector.broadcast %reduce_max3A_235 : f32 to vector<16xf32>
      %eq3A_309 = arith.cmpf oeq, %get3A_289, %eq3A_308 : vector<16xf32>
      %add3A_310 = arith.constant 32 : i32
      %add3A_311 = vector.broadcast %add3A_310 : i32 to vector<16xi32>
      %add3A_312 = arith.addi %iota3A_275, %add3A_311 : vector<16xi32>
      %jit3A_313 = arith.constant 64 : i32
      %broadcast_in_dim3A_314 = vector.broadcast %jit3A_313 : i32 to vector<16xi32>
      %select_n3A_315 = arith.select %eq3A_309, %add3A_312, %broadcast_in_dim3A_314 : vector<16xi1>, vector<16xi32>
      %eq3A_316 = vector.broadcast %reduce_max3A_235 : f32 to vector<16xf32>
      %eq3A_317 = arith.cmpf oeq, %get3A_293, %eq3A_316 : vector<16xf32>
      %add3A_318 = arith.constant 48 : i32
      %add3A_319 = vector.broadcast %add3A_318 : i32 to vector<16xi32>
      %add3A_320 = arith.addi %iota3A_275, %add3A_319 : vector<16xi32>
      %jit3A_321 = arith.constant 64 : i32
      %broadcast_in_dim3A_322 = vector.broadcast %jit3A_321 : i32 to vector<16xi32>
      %select_n3A_323 = arith.select %eq3A_317, %add3A_320, %broadcast_in_dim3A_322 : vector<16xi1>, vector<16xi32>
      %min3A_324 = arith.minsi %select_n3A_315, %select_n3A_323 : vector<16xi32>
      %min3A_325 = arith.minsi %min3A_307, %min3A_324 : vector<16xi32>
      %reduce_min3A_326 = arith.constant true
      %reduce_min3A_327 = vector.broadcast %reduce_min3A_326 : i1 to vector<16xi1>
      %reduce_min3A_328 = arith.constant -2147483648 : i32
      %reduce_min3A_329 = vector.broadcast %reduce_min3A_328 : i32 to vector<16xi32>
      %reduce_min3A_330 = arith.xori %min3A_325, %reduce_min3A_329 : vector<16xi32>
      %reduce_min3A_331 = tpu.scan <min>, %reduce_min3A_330 masked %reduce_min3A_327 : vector<16xi32>, vector<16xi1> -> vector<16xi32>
      %reduce_min3A_332 = arith.xori %reduce_min3A_331, %reduce_min3A_329 : vector<16xi32>
      %reduce_min3A_333 = vector.extract %reduce_min3A_332[15] : i32 from vector<16xi32>
      %add3A_334 = arith.constant 0 : i32
      %add3A_335 = vector.broadcast %add3A_334 : i32 to vector<16xi32>
      %add3A_336 = arith.addi %iota3A_275, %add3A_335 : vector<16xi32>
      %eq3A_337 = vector.broadcast %reduce_min3A_333 : i32 to vector<16xi32>
      %eq3A_338 = arith.cmpi eq, %add3A_336, %eq3A_337 : vector<16xi32>
      %jit3A_339 = arith.constant -3.000000e+38 : f32
      %broadcast_in_dim3A_340 = vector.broadcast %jit3A_339 : f32 to vector<16xf32>
      %select_n3A_341 = arith.select %eq3A_338, %broadcast_in_dim3A_340, %get3A_281 : vector<16xi1>, vector<16xf32>
      %add3A_342 = arith.constant 0 : i32
      %add3A_343 = arith.addi %mul3A_277, %add3A_342 : i32
      %swap3A_344 = arith.index_cast %add3A_343 : i32 to index
      %swap3A_345 = tpu.vector_load %arg11[%swap3A_344] {strides = array<i32>} : memref<4032xf32, #tpu.memory_space<vmem>>, vector<16xf32>,
      tpu.vector_store %arg11[%swap3A_344], %select_n3A_341 {strides = array<i32>} : memref<4032xf32, #tpu.memory_space<vmem>>, vector<16xf32>,
      %reduce_max3A_346 = arith.constant true
      %reduce_max3A_347 = vector.broadcast %reduce_max3A_346 : i1 to vector<16xi1>
      %reduce_max3A_348 = tpu.scan <max>, %select_n3A_341 masked %reduce_max3A_347 : vector<16xf32>, vector<16xi1> -> vector<16xf32>
      %reduce_max3A_349 = vector.extract %reduce_max3A_348[15] : f32 from vector<16xf32>
      %max3A_350 = arith.constant -3.000000e+38 : f32
      %max3A_351 = arith.maximumf %max3A_350, %reduce_max3A_349 : f32
      %add3A_352 = arith.constant 16 : i32
      %add3A_353 = vector.broadcast %add3A_352 : i32 to vector<16xi32>
      %add3A_354 = arith.addi %iota3A_275, %add3A_353 : vector<16xi32>
      %eq3A_355 = vector.broadcast %reduce_min3A_333 : i32 to vector<16xi32>
      %eq3A_356 = arith.cmpi eq, %add3A_354, %eq3A_355 : vector<16xi32>
      %jit3A_357 = arith.constant -3.000000e+38 : f32
      %broadcast_in_dim3A_358 = vector.broadcast %jit3A_357 : f32 to vector<16xf32>
      %select_n3A_359 = arith.select %eq3A_356, %broadcast_in_dim3A_358, %get3A_285 : vector<16xi1>, vector<16xf32>
      %add3A_360 = arith.constant 16 : i32
      %add3A_361 = arith.addi %mul3A_277, %add3A_360 : i32
      %swap3A_362 = arith.index_cast %add3A_361 : i32 to index
      %swap3A_363 = tpu.vector_load %arg11[%swap3A_362] {strides = array<i32>} : memref<4032xf32, #tpu.memory_space<vmem>>, vector<16xf32>,
      tpu.vector_store %arg11[%swap3A_362], %select_n3A_359 {strides = array<i32>} : memref<4032xf32, #tpu.memory_space<vmem>>, vector<16xf32>,
      %reduce_max3A_364 = arith.constant true
      %reduce_max3A_365 = vector.broadcast %reduce_max3A_364 : i1 to vector<16xi1>
      %reduce_max3A_366 = tpu.scan <max>, %select_n3A_359 masked %reduce_max3A_365 : vector<16xf32>, vector<16xi1> -> vector<16xf32>
      %reduce_max3A_367 = vector.extract %reduce_max3A_366[15] : f32 from vector<16xf32>
      %max3A_368 = arith.maximumf %max3A_351, %reduce_max3A_367 : f32
      %add3A_369 = arith.constant 32 : i32
      %add3A_370 = vector.broadcast %add3A_369 : i32 to vector<16xi32>
      %add3A_371 = arith.addi %iota3A_275, %add3A_370 : vector<16xi32>
      %eq3A_372 = vector.broadcast %reduce_min3A_333 : i32 to vector<16xi32>
      %eq3A_373 = arith.cmpi eq, %add3A_371, %eq3A_372 : vector<16xi32>
      %jit3A_374 = arith.constant -3.000000e+38 : f32
      %broadcast_in_dim3A_375 = vector.broadcast %jit3A_374 : f32 to vector<16xf32>
      %select_n3A_376 = arith.select %eq3A_373, %broadcast_in_dim3A_375, %get3A_289 : vector<16xi1>, vector<16xf32>
      %add3A_377 = arith.constant 32 : i32
      %add3A_378 = arith.addi %mul3A_277, %add3A_377 : i32
      %swap3A_379 = arith.index_cast %add3A_378 : i32 to index
      %swap3A_380 = tpu.vector_load %arg11[%swap3A_379] {strides = array<i32>} : memref<4032xf32, #tpu.memory_space<vmem>>, vector<16xf32>,
      tpu.vector_store %arg11[%swap3A_379], %select_n3A_376 {strides = array<i32>} : memref<4032xf32, #tpu.memory_space<vmem>>, vector<16xf32>,
      %reduce_max3A_381 = arith.constant true
      %reduce_max3A_382 = vector.broadcast %reduce_max3A_381 : i1 to vector<16xi1>
      %reduce_max3A_383 = tpu.scan <max>, %select_n3A_376 masked %reduce_max3A_382 : vector<16xf32>, vector<16xi1> -> vector<16xf32>
      %reduce_max3A_384 = vector.extract %reduce_max3A_383[15] : f32 from vector<16xf32>
      %max3A_385 = arith.maximumf %max3A_368, %reduce_max3A_384 : f32
      %add3A_386 = arith.constant 48 : i32
      %add3A_387 = vector.broadcast %add3A_386 : i32 to vector<16xi32>
      %add3A_388 = arith.addi %iota3A_275, %add3A_387 : vector<16xi32>
      %eq3A_389 = vector.broadcast %reduce_min3A_333 : i32 to vector<16xi32>
      %eq3A_390 = arith.cmpi eq, %add3A_388, %eq3A_389 : vector<16xi32>
      %jit3A_391 = arith.constant -3.000000e+38 : f32
      %broadcast_in_dim3A_392 = vector.broadcast %jit3A_391 : f32 to vector<16xf32>
      %select_n3A_393 = arith.select %eq3A_390, %broadcast_in_dim3A_392, %get3A_293 : vector<16xi1>, vector<16xf32>
      %add3A_394 = arith.constant 48 : i32
      %add3A_395 = arith.addi %mul3A_277, %add3A_394 : i32
      %swap3A_396 = arith.index_cast %add3A_395 : i32 to index
      %swap3A_397 = tpu.vector_load %arg11[%swap3A_396] {strides = array<i32>} : memref<4032xf32, #tpu.memory_space<vmem>>, vector<16xf32>,
      tpu.vector_store %arg11[%swap3A_396], %select_n3A_393 {strides = array<i32>} : memref<4032xf32, #tpu.memory_space<vmem>>, vector<16xf32>,
      %reduce_max3A_398 = arith.constant true
      %reduce_max3A_399 = vector.broadcast %reduce_max3A_398 : i1 to vector<16xi1>
      %reduce_max3A_400 = tpu.scan <max>, %select_n3A_393 masked %reduce_max3A_399 : vector<16xf32>, vector<16xi1> -> vector<16xf32>
      %reduce_max3A_401 = vector.extract %reduce_max3A_400[15] : f32 from vector<16xf32>
      %max3A_402 = arith.maximumf %max3A_385, %reduce_max3A_401 : f32
      %broadcast_in_dim3A_403 = vector.broadcast %reduce_min3A_274 : i32 to vector<16xi32>
      %broadcast_in_dim3A_404 = vector.broadcast %max3A_402 : f32 to vector<16xf32>
      %eq3A_405 = arith.constant 0 : i32
      %eq3A_406 = vector.broadcast %eq3A_405 : i32 to vector<16xi32>
      %eq3A_407 = arith.cmpi eq, %iota3A_275, %eq3A_406 : vector<16xi32>
      tpu.vector_store_idx %arg13[%broadcast_in_dim3A_403], %broadcast_in_dim3A_404 masked %eq3A_407 : memref<64xf32, #tpu.memory_space<vmem>>[vector<16xi32>], vector<16xf32>, vector<16xi1>
      %broadcast_in_dim3A_408 = vector.broadcast %scan3A_221 : i32 to vector<16xi32>
      %broadcast_in_dim3A_409 = vector.broadcast %reduce_max3A_235 : f32 to vector<16xf32>
      %iota3A_410 = tpu.iota {dimensions = array<i32: 0>} : vector<16xi32>
      %eq3A_411 = arith.constant 0 : i32
      %eq3A_412 = vector.broadcast %eq3A_411 : i32 to vector<16xi32>
      %eq3A_413 = arith.cmpi eq, %iota3A_410, %eq3A_412 : vector<16xi32>
      tpu.vector_store_idx %arg16[%broadcast_in_dim3A_408], %broadcast_in_dim3A_409 masked %eq3A_413 : memref<32xf32, #tpu.memory_space<vmem>>[vector<16xi32>], vector<16xf32>, vector<16xi1>
      %add3A_414 = arith.addf %scan3A_222, %reduce_max3A_235 : f32
      scf.yield %add3A_414 : f32
    }
    %scan3A_139 = arith.constant 20 : i32
    %scan3A_140 = arith.constant 0.000000e+00 : f32
    %scan3A_141 = arith.constant 0 : i32
    %scan3A_142 = arith.constant 20 : i32
    %scan3A_143 = arith.addi %scan3A_141, %scan3A_142 : i32
    %scan3A_144 = arith.constant 1 : i32
    %scan3A_145 = scf.for %scan3A_221 = %scan3A_141 to %scan3A_143 step %scan3A_144 iter_args(%scan3A_222 = %scan3A_140) -> (f32)  : i32 {
      %get3A_223 = arith.constant 0 : index
      %get3A_224 = tpu.vector_load %arg14[%get3A_223] {strides = array<i32>} : memref<64xf32, #tpu.memory_space<vmem>>, vector<16xf32>,
      %get3A_225 = arith.constant 16 : index
      %get3A_226 = tpu.vector_load %arg14[%get3A_225] {strides = array<i32>} : memref<64xf32, #tpu.memory_space<vmem>>, vector<16xf32>,
      %get3A_227 = arith.constant 32 : index
      %get3A_228 = tpu.vector_load %arg14[%get3A_227] {strides = array<i32>} : memref<64xf32, #tpu.memory_space<vmem>>, vector<16xf32>,
      %get3A_229 = arith.constant 48 : index
      %get3A_230 = tpu.vector_load %arg14[%get3A_229] {strides = array<i32>} : memref<64xf32, #tpu.memory_space<vmem>>, vector<16xf32>,
      %max3A = arith.maximumf %get3A_224, %get3A_226 : vector<16xf32>
      %max3A_231 = arith.maximumf %get3A_228, %get3A_230 : vector<16xf32>
      %max3A_232 = arith.maximumf %max3A, %max3A_231 : vector<16xf32>
      %reduce_max3A = arith.constant true
      %reduce_max3A_233 = vector.broadcast %reduce_max3A : i1 to vector<16xi1>
      %reduce_max3A_234 = tpu.scan <max>, %max3A_232 masked %reduce_max3A_233 : vector<16xf32>, vector<16xi1> -> vector<16xf32>
      %reduce_max3A_235 = vector.extract %reduce_max3A_234[15] : f32 from vector<16xf32>
      %iota3A_236 = tpu.iota {dimensions = array<i32: 0>} : vector<16xi32>
      %eq3A_237 = vector.broadcast %reduce_max3A_235 : f32 to vector<16xf32>
      %eq3A_238 = arith.cmpf oeq, %get3A_224, %eq3A_237 : vector<16xf32>
      %jit3A_239 = arith.constant 64 : i32
      %broadcast_in_dim3A_240 = vector.broadcast %jit3A_239 : i32 to vector<16xi32>
      %select_n3A_241 = arith.select %eq3A_238, %iota3A_236, %broadcast_in_dim3A_240 : vector<16xi1>, vector<16xi32>
      %eq3A_242 = vector.broadcast %reduce_max3A_235 : f32 to vector<16xf32>
      %eq3A_243 = arith.cmpf oeq, %get3A_226, %eq3A_242 : vector<16xf32>
      %add3A_244 = arith.constant 16 : i32
      %add3A_245 = vector.broadcast %add3A_244 : i32 to vector<16xi32>
      %add3A_246 = arith.addi %iota3A_236, %add3A_245 : vector<16xi32>
      %jit3A_247 = arith.constant 64 : i32
      %broadcast_in_dim3A_248 = vector.broadcast %jit3A_247 : i32 to vector<16xi32>
      %select_n3A_249 = arith.select %eq3A_243, %add3A_246, %broadcast_in_dim3A_248 : vector<16xi1>, vector<16xi32>
      %min3A = arith.minsi %select_n3A_241, %select_n3A_249 : vector<16xi32>
      %eq3A_250 = vector.broadcast %reduce_max3A_235 : f32 to vector<16xf32>
      %eq3A_251 = arith.cmpf oeq, %get3A_228, %eq3A_250 : vector<16xf32>
      %add3A_252 = arith.constant 32 : i32
      %add3A_253 = vector.broadcast %add3A_252 : i32 to vector<16xi32>
      %add3A_254 = arith.addi %iota3A_236, %add3A_253 : vector<16xi32>
      %jit3A_255 = arith.constant 64 : i32
      %broadcast_in_dim3A_256 = vector.broadcast %jit3A_255 : i32 to vector<16xi32>
      %select_n3A_257 = arith.select %eq3A_251, %add3A_254, %broadcast_in_dim3A_256 : vector<16xi1>, vector<16xi32>
      %eq3A_258 = vector.broadcast %reduce_max3A_235 : f32 to vector<16xf32>
      %eq3A_259 = arith.cmpf oeq, %get3A_230, %eq3A_258 : vector<16xf32>
      %add3A_260 = arith.constant 48 : i32
      %add3A_261 = vector.broadcast %add3A_260 : i32 to vector<16xi32>
      %add3A_262 = arith.addi %iota3A_236, %add3A_261 : vector<16xi32>
      %jit3A_263 = arith.constant 64 : i32
      %broadcast_in_dim3A_264 = vector.broadcast %jit3A_263 : i32 to vector<16xi32>
      %select_n3A_265 = arith.select %eq3A_259, %add3A_262, %broadcast_in_dim3A_264 : vector<16xi1>, vector<16xi32>
      %min3A_266 = arith.minsi %select_n3A_257, %select_n3A_265 : vector<16xi32>
      %min3A_267 = arith.minsi %min3A, %min3A_266 : vector<16xi32>
      %reduce_min3A = arith.constant true
      %reduce_min3A_268 = vector.broadcast %reduce_min3A : i1 to vector<16xi1>
      %reduce_min3A_269 = arith.constant -2147483648 : i32
      %reduce_min3A_270 = vector.broadcast %reduce_min3A_269 : i32 to vector<16xi32>
      %reduce_min3A_271 = arith.xori %min3A_267, %reduce_min3A_270 : vector<16xi32>
      %reduce_min3A_272 = tpu.scan <min>, %reduce_min3A_271 masked %reduce_min3A_268 : vector<16xi32>, vector<16xi1> -> vector<16xi32>
      %reduce_min3A_273 = arith.xori %reduce_min3A_272, %reduce_min3A_270 : vector<16xi32>
      %reduce_min3A_274 = vector.extract %reduce_min3A_273[15] : i32 from vector<16xi32>
      %iota3A_275 = tpu.iota {dimensions = array<i32: 0>} : vector<16xi32>
      %mul3A_276 = arith.constant 64 : i32
      %mul3A_277 = arith.muli %reduce_min3A_274, %mul3A_276 : i32
      %add3A_278 = arith.constant 0 : i32
      %add3A_279 = arith.addi %mul3A_277, %add3A_278 : i32
      %get3A_280 = arith.index_cast %add3A_279 : i32 to index
      %get3A_281 = tpu.vector_load %arg12[%get3A_280] {strides = array<i32>} : memref<4032xf32, #tpu.memory_space<vmem>>, vector<16xf32>,
      %add3A_282 = arith.constant 16 : i32
      %add3A_283 = arith.addi %mul3A_277, %add3A_282 : i32
      %get3A_284 = arith.index_cast %add3A_283 : i32 to index
      %get3A_285 = tpu.vector_load %arg12[%get3A_284] {strides = array<i32>} : memref<4032xf32, #tpu.memory_space<vmem>>, vector<16xf32>,
      %add3A_286 = arith.constant 32 : i32
      %add3A_287 = arith.addi %mul3A_277, %add3A_286 : i32
      %get3A_288 = arith.index_cast %add3A_287 : i32 to index
      %get3A_289 = tpu.vector_load %arg12[%get3A_288] {strides = array<i32>} : memref<4032xf32, #tpu.memory_space<vmem>>, vector<16xf32>,
      %add3A_290 = arith.constant 48 : i32
      %add3A_291 = arith.addi %mul3A_277, %add3A_290 : i32
      %get3A_292 = arith.index_cast %add3A_291 : i32 to index
      %get3A_293 = tpu.vector_load %arg12[%get3A_292] {strides = array<i32>} : memref<4032xf32, #tpu.memory_space<vmem>>, vector<16xf32>,
      %eq3A_294 = vector.broadcast %reduce_max3A_235 : f32 to vector<16xf32>
      %eq3A_295 = arith.cmpf oeq, %get3A_281, %eq3A_294 : vector<16xf32>
      %jit3A_296 = arith.constant 64 : i32
      %broadcast_in_dim3A_297 = vector.broadcast %jit3A_296 : i32 to vector<16xi32>
      %select_n3A_298 = arith.select %eq3A_295, %iota3A_275, %broadcast_in_dim3A_297 : vector<16xi1>, vector<16xi32>
      %eq3A_299 = vector.broadcast %reduce_max3A_235 : f32 to vector<16xf32>
      %eq3A_300 = arith.cmpf oeq, %get3A_285, %eq3A_299 : vector<16xf32>
      %add3A_301 = arith.constant 16 : i32
      %add3A_302 = vector.broadcast %add3A_301 : i32 to vector<16xi32>
      %add3A_303 = arith.addi %iota3A_275, %add3A_302 : vector<16xi32>
      %jit3A_304 = arith.constant 64 : i32
      %broadcast_in_dim3A_305 = vector.broadcast %jit3A_304 : i32 to vector<16xi32>
      %select_n3A_306 = arith.select %eq3A_300, %add3A_303, %broadcast_in_dim3A_305 : vector<16xi1>, vector<16xi32>
      %min3A_307 = arith.minsi %select_n3A_298, %select_n3A_306 : vector<16xi32>
      %eq3A_308 = vector.broadcast %reduce_max3A_235 : f32 to vector<16xf32>
      %eq3A_309 = arith.cmpf oeq, %get3A_289, %eq3A_308 : vector<16xf32>
      %add3A_310 = arith.constant 32 : i32
      %add3A_311 = vector.broadcast %add3A_310 : i32 to vector<16xi32>
      %add3A_312 = arith.addi %iota3A_275, %add3A_311 : vector<16xi32>
      %jit3A_313 = arith.constant 64 : i32
      %broadcast_in_dim3A_314 = vector.broadcast %jit3A_313 : i32 to vector<16xi32>
      %select_n3A_315 = arith.select %eq3A_309, %add3A_312, %broadcast_in_dim3A_314 : vector<16xi1>, vector<16xi32>
      %eq3A_316 = vector.broadcast %reduce_max3A_235 : f32 to vector<16xf32>
      %eq3A_317 = arith.cmpf oeq, %get3A_293, %eq3A_316 : vector<16xf32>
      %add3A_318 = arith.constant 48 : i32
      %add3A_319 = vector.broadcast %add3A_318 : i32 to vector<16xi32>
      %add3A_320 = arith.addi %iota3A_275, %add3A_319 : vector<16xi32>
      %jit3A_321 = arith.constant 64 : i32
      %broadcast_in_dim3A_322 = vector.broadcast %jit3A_321 : i32 to vector<16xi32>
      %select_n3A_323 = arith.select %eq3A_317, %add3A_320, %broadcast_in_dim3A_322 : vector<16xi1>, vector<16xi32>
      %min3A_324 = arith.minsi %select_n3A_315, %select_n3A_323 : vector<16xi32>
      %min3A_325 = arith.minsi %min3A_307, %min3A_324 : vector<16xi32>
      %reduce_min3A_326 = arith.constant true
      %reduce_min3A_327 = vector.broadcast %reduce_min3A_326 : i1 to vector<16xi1>
      %reduce_min3A_328 = arith.constant -2147483648 : i32
      %reduce_min3A_329 = vector.broadcast %reduce_min3A_328 : i32 to vector<16xi32>
      %reduce_min3A_330 = arith.xori %min3A_325, %reduce_min3A_329 : vector<16xi32>
      %reduce_min3A_331 = tpu.scan <min>, %reduce_min3A_330 masked %reduce_min3A_327 : vector<16xi32>, vector<16xi1> -> vector<16xi32>
      %reduce_min3A_332 = arith.xori %reduce_min3A_331, %reduce_min3A_329 : vector<16xi32>
      %reduce_min3A_333 = vector.extract %reduce_min3A_332[15] : i32 from vector<16xi32>
      %add3A_334 = arith.constant 0 : i32
      %add3A_335 = vector.broadcast %add3A_334 : i32 to vector<16xi32>
      %add3A_336 = arith.addi %iota3A_275, %add3A_335 : vector<16xi32>
      %eq3A_337 = vector.broadcast %reduce_min3A_333 : i32 to vector<16xi32>
      %eq3A_338 = arith.cmpi eq, %add3A_336, %eq3A_337 : vector<16xi32>
      %jit3A_339 = arith.constant -3.000000e+38 : f32
      %broadcast_in_dim3A_340 = vector.broadcast %jit3A_339 : f32 to vector<16xf32>
      %select_n3A_341 = arith.select %eq3A_338, %broadcast_in_dim3A_340, %get3A_281 : vector<16xi1>, vector<16xf32>
      %add3A_342 = arith.constant 0 : i32
      %add3A_343 = arith.addi %mul3A_277, %add3A_342 : i32
      %swap3A_344 = arith.index_cast %add3A_343 : i32 to index
      %swap3A_345 = tpu.vector_load %arg12[%swap3A_344] {strides = array<i32>} : memref<4032xf32, #tpu.memory_space<vmem>>, vector<16xf32>,
      tpu.vector_store %arg12[%swap3A_344], %select_n3A_341 {strides = array<i32>} : memref<4032xf32, #tpu.memory_space<vmem>>, vector<16xf32>,
      %reduce_max3A_346 = arith.constant true
      %reduce_max3A_347 = vector.broadcast %reduce_max3A_346 : i1 to vector<16xi1>
      %reduce_max3A_348 = tpu.scan <max>, %select_n3A_341 masked %reduce_max3A_347 : vector<16xf32>, vector<16xi1> -> vector<16xf32>
      %reduce_max3A_349 = vector.extract %reduce_max3A_348[15] : f32 from vector<16xf32>
      %max3A_350 = arith.constant -3.000000e+38 : f32
      %max3A_351 = arith.maximumf %max3A_350, %reduce_max3A_349 : f32
      %add3A_352 = arith.constant 16 : i32
      %add3A_353 = vector.broadcast %add3A_352 : i32 to vector<16xi32>
      %add3A_354 = arith.addi %iota3A_275, %add3A_353 : vector<16xi32>
      %eq3A_355 = vector.broadcast %reduce_min3A_333 : i32 to vector<16xi32>
      %eq3A_356 = arith.cmpi eq, %add3A_354, %eq3A_355 : vector<16xi32>
      %jit3A_357 = arith.constant -3.000000e+38 : f32
      %broadcast_in_dim3A_358 = vector.broadcast %jit3A_357 : f32 to vector<16xf32>
      %select_n3A_359 = arith.select %eq3A_356, %broadcast_in_dim3A_358, %get3A_285 : vector<16xi1>, vector<16xf32>
      %add3A_360 = arith.constant 16 : i32
      %add3A_361 = arith.addi %mul3A_277, %add3A_360 : i32
      %swap3A_362 = arith.index_cast %add3A_361 : i32 to index
      %swap3A_363 = tpu.vector_load %arg12[%swap3A_362] {strides = array<i32>} : memref<4032xf32, #tpu.memory_space<vmem>>, vector<16xf32>,
      tpu.vector_store %arg12[%swap3A_362], %select_n3A_359 {strides = array<i32>} : memref<4032xf32, #tpu.memory_space<vmem>>, vector<16xf32>,
      %reduce_max3A_364 = arith.constant true
      %reduce_max3A_365 = vector.broadcast %reduce_max3A_364 : i1 to vector<16xi1>
      %reduce_max3A_366 = tpu.scan <max>, %select_n3A_359 masked %reduce_max3A_365 : vector<16xf32>, vector<16xi1> -> vector<16xf32>
      %reduce_max3A_367 = vector.extract %reduce_max3A_366[15] : f32 from vector<16xf32>
      %max3A_368 = arith.maximumf %max3A_351, %reduce_max3A_367 : f32
      %add3A_369 = arith.constant 32 : i32
      %add3A_370 = vector.broadcast %add3A_369 : i32 to vector<16xi32>
      %add3A_371 = arith.addi %iota3A_275, %add3A_370 : vector<16xi32>
      %eq3A_372 = vector.broadcast %reduce_min3A_333 : i32 to vector<16xi32>
      %eq3A_373 = arith.cmpi eq, %add3A_371, %eq3A_372 : vector<16xi32>
      %jit3A_374 = arith.constant -3.000000e+38 : f32
      %broadcast_in_dim3A_375 = vector.broadcast %jit3A_374 : f32 to vector<16xf32>
      %select_n3A_376 = arith.select %eq3A_373, %broadcast_in_dim3A_375, %get3A_289 : vector<16xi1>, vector<16xf32>
      %add3A_377 = arith.constant 32 : i32
      %add3A_378 = arith.addi %mul3A_277, %add3A_377 : i32
      %swap3A_379 = arith.index_cast %add3A_378 : i32 to index
      %swap3A_380 = tpu.vector_load %arg12[%swap3A_379] {strides = array<i32>} : memref<4032xf32, #tpu.memory_space<vmem>>, vector<16xf32>,
      tpu.vector_store %arg12[%swap3A_379], %select_n3A_376 {strides = array<i32>} : memref<4032xf32, #tpu.memory_space<vmem>>, vector<16xf32>,
      %reduce_max3A_381 = arith.constant true
      %reduce_max3A_382 = vector.broadcast %reduce_max3A_381 : i1 to vector<16xi1>
      %reduce_max3A_383 = tpu.scan <max>, %select_n3A_376 masked %reduce_max3A_382 : vector<16xf32>, vector<16xi1> -> vector<16xf32>
      %reduce_max3A_384 = vector.extract %reduce_max3A_383[15] : f32 from vector<16xf32>
      %max3A_385 = arith.maximumf %max3A_368, %reduce_max3A_384 : f32
      %add3A_386 = arith.constant 48 : i32
      %add3A_387 = vector.broadcast %add3A_386 : i32 to vector<16xi32>
      %add3A_388 = arith.addi %iota3A_275, %add3A_387 : vector<16xi32>
      %eq3A_389 = vector.broadcast %reduce_min3A_333 : i32 to vector<16xi32>
      %eq3A_390 = arith.cmpi eq, %add3A_388, %eq3A_389 : vector<16xi32>
      %jit3A_391 = arith.constant -3.000000e+38 : f32
      %broadcast_in_dim3A_392 = vector.broadcast %jit3A_391 : f32 to vector<16xf32>
      %select_n3A_393 = arith.select %eq3A_390, %broadcast_in_dim3A_392, %get3A_293 : vector<16xi1>, vector<16xf32>
      %add3A_394 = arith.constant 48 : i32
      %add3A_395 = arith.addi %mul3A_277, %add3A_394 : i32
      %swap3A_396 = arith.index_cast %add3A_395 : i32 to index
      %swap3A_397 = tpu.vector_load %arg12[%swap3A_396] {strides = array<i32>} : memref<4032xf32, #tpu.memory_space<vmem>>, vector<16xf32>,
      tpu.vector_store %arg12[%swap3A_396], %select_n3A_393 {strides = array<i32>} : memref<4032xf32, #tpu.memory_space<vmem>>, vector<16xf32>,
      %reduce_max3A_398 = arith.constant true
      %reduce_max3A_399 = vector.broadcast %reduce_max3A_398 : i1 to vector<16xi1>
      %reduce_max3A_400 = tpu.scan <max>, %select_n3A_393 masked %reduce_max3A_399 : vector<16xf32>, vector<16xi1> -> vector<16xf32>
      %reduce_max3A_401 = vector.extract %reduce_max3A_400[15] : f32 from vector<16xf32>
      %max3A_402 = arith.maximumf %max3A_385, %reduce_max3A_401 : f32
      %broadcast_in_dim3A_403 = vector.broadcast %reduce_min3A_274 : i32 to vector<16xi32>
      %broadcast_in_dim3A_404 = vector.broadcast %max3A_402 : f32 to vector<16xf32>
      %eq3A_405 = arith.constant 0 : i32
      %eq3A_406 = vector.broadcast %eq3A_405 : i32 to vector<16xi32>
      %eq3A_407 = arith.cmpi eq, %iota3A_275, %eq3A_406 : vector<16xi32>
      tpu.vector_store_idx %arg14[%broadcast_in_dim3A_403], %broadcast_in_dim3A_404 masked %eq3A_407 : memref<64xf32, #tpu.memory_space<vmem>>[vector<16xi32>], vector<16xf32>, vector<16xi1>
      %broadcast_in_dim3A_408 = vector.broadcast %scan3A_221 : i32 to vector<16xi32>
      %broadcast_in_dim3A_409 = vector.broadcast %reduce_max3A_235 : f32 to vector<16xf32>
      %iota3A_410 = tpu.iota {dimensions = array<i32: 0>} : vector<16xi32>
      %eq3A_411 = arith.constant 0 : i32
      %eq3A_412 = vector.broadcast %eq3A_411 : i32 to vector<16xi32>
      %eq3A_413 = arith.cmpi eq, %iota3A_410, %eq3A_412 : vector<16xi32>
      tpu.vector_store_idx %arg17[%broadcast_in_dim3A_408], %broadcast_in_dim3A_409 masked %eq3A_413 : memref<32xf32, #tpu.memory_space<vmem>>[vector<16xi32>], vector<16xf32>, vector<16xi1>
      %add3A_414 = arith.addf %scan3A_222, %reduce_max3A_235 : f32
      scf.yield %add3A_414 : f32
    }
    %scan3A_146 = arith.constant 20 : i32
    %mul3A_147 = arith.constant 2 : i32
    %mul3A_148 = arith.muli %arg1, %mul3A_147 : i32
    %mul3A_149 = arith.constant 16 : i32
    %mul3A_150 = arith.muli %mul3A_148, %mul3A_149 : i32
    "tpu.region"() ({
      %run_scoped3A = tpu.sem_alloc : memref<!tpu.dma_semaphore, #tpu.memory_space<semaphore_mem>>
      %dma_start3A_221 = tpu.memref_slice %arg18[%mul3A_150] : memref<512xf32, #tpu.memory_space<vmem_shared>> -> memref<32xf32, #tpu.memory_space<vmem_shared>>
      %dma_start3A_222 = tpu.memref_slice %arg18[%mul3A_150] : memref<512xf32, #tpu.memory_space<vmem_shared>> -> memref<32xf32, #tpu.memory_space<vmem_shared>>
      tpu.enqueue_dma source(%arg16 : memref<32xf32, #tpu.memory_space<vmem>>) target(%dma_start3A_222 : memref<32xf32, #tpu.memory_space<vmem_shared>>) target_semaphore(%run_scoped3A : memref<!tpu.dma_semaphore, #tpu.memory_space<semaphore_mem>>)
      %dma_wait3A_223 = tpu.memref_slice %arg18[%mul3A_150] : memref<512xf32, #tpu.memory_space<vmem_shared>> -> memref<32xf32, #tpu.memory_space<vmem_shared>>
      %dma_wait3A_224 = tpu.memref_slice %arg18[%mul3A_150] : memref<512xf32, #tpu.memory_space<vmem_shared>> -> memref<32xf32, #tpu.memory_space<vmem_shared>>
      tpu.wait_dma2 semaphore(%run_scoped3A : memref<!tpu.dma_semaphore, #tpu.memory_space<semaphore_mem>>) src(%arg16 : memref<32xf32, #tpu.memory_space<vmem>>) dst(%dma_wait3A_224 : memref<32xf32, #tpu.memory_space<vmem_shared>>)
      tpu.yield
    }) : () -> ()
    %mul3A_151 = arith.constant 2 : i32
    %mul3A_152 = arith.muli %arg1, %mul3A_151 : i32
    %mul3A_153 = arith.constant 16 : i32
    %mul3A_154 = arith.muli %mul3A_152, %mul3A_153 : i32
    "tpu.region"() ({
      %run_scoped3A = tpu.sem_alloc : memref<!tpu.dma_semaphore, #tpu.memory_space<semaphore_mem>>
      %dma_start3A_221 = tpu.memref_slice %arg19[%mul3A_154] : memref<512xf32, #tpu.memory_space<vmem_shared>> -> memref<32xf32, #tpu.memory_space<vmem_shared>>
      %dma_start3A_222 = tpu.memref_slice %arg19[%mul3A_154] : memref<512xf32, #tpu.memory_space<vmem_shared>> -> memref<32xf32, #tpu.memory_space<vmem_shared>>
      tpu.enqueue_dma source(%arg17 : memref<32xf32, #tpu.memory_space<vmem>>) target(%dma_start3A_222 : memref<32xf32, #tpu.memory_space<vmem_shared>>) target_semaphore(%run_scoped3A : memref<!tpu.dma_semaphore, #tpu.memory_space<semaphore_mem>>)
      %dma_wait3A_223 = tpu.memref_slice %arg19[%mul3A_154] : memref<512xf32, #tpu.memory_space<vmem_shared>> -> memref<32xf32, #tpu.memory_space<vmem_shared>>
      %dma_wait3A_224 = tpu.memref_slice %arg19[%mul3A_154] : memref<512xf32, #tpu.memory_space<vmem_shared>> -> memref<32xf32, #tpu.memory_space<vmem_shared>>
      tpu.wait_dma2 semaphore(%run_scoped3A : memref<!tpu.dma_semaphore, #tpu.memory_space<semaphore_mem>>) src(%arg17 : memref<32xf32, #tpu.memory_space<vmem>>) dst(%dma_wait3A_224 : memref<32xf32, #tpu.memory_space<vmem_shared>>)
      tpu.yield
    }) : () -> ()
    %barrier3A = arith.constant 0 : index
    tpu.barrier barrier_id(%barrier3A)
    %jit3A_155 = arith.constant 4 : i32
    %div3A_156 = arith.divsi %arg1, %jit3A_155 : i32
    %sign3A_157 = arith.constant 0 : i32
    %sign3A_158 = arith.cmpi sgt, %arg1, %sign3A_157 : i32
    %sign3A_159 = arith.extui %sign3A_158 : i1 to i32
    %sign3A_160 = arith.constant 0 : i32
    %sign3A_161 = arith.cmpi slt, %arg1, %sign3A_160 : i32
    %sign3A_162 = arith.extui %sign3A_161 : i1 to i32
    %sign3A_163 = arith.subi %sign3A_159, %sign3A_162 : i32
    %sign3A_164 = arith.constant 0 : i32
    %sign3A_165 = arith.cmpi sgt, %jit3A_155, %sign3A_164 : i32
    %sign3A_166 = arith.extui %sign3A_165 : i1 to i32
    %sign3A_167 = arith.constant 0 : i32
    %sign3A_168 = arith.cmpi slt, %jit3A_155, %sign3A_167 : i32
    %sign3A_169 = arith.extui %sign3A_168 : i1 to i32
    %sign3A_170 = arith.subi %sign3A_166, %sign3A_169 : i32
    %ne3A_171 = arith.cmpi ne, %sign3A_163, %sign3A_170 : i32
    %rem3A_172 = arith.remsi %arg1, %jit3A_155 : i32
    %ne3A_173 = arith.constant 0 : i32
    %ne3A_174 = arith.cmpi ne, %rem3A_172, %ne3A_173 : i32
    %and3A_175 = arith.andi %ne3A_171, %ne3A_174 : i1
    %sub3A_176 = arith.constant 1 : i32
    %sub3A_177 = arith.subi %div3A_156, %sub3A_176 : i32
    %select_n3A_178 = arith.select %and3A_175, %sub3A_177, %div3A_156 : i32
    %mul3A_179 = arith.constant 4 : i32
    %mul3A_180 = arith.muli %select_n3A_178, %mul3A_179 : i32
    %jit3A_181 = arith.constant 4 : i32
    %eq3A_182 = arith.constant 0 : i32
    %eq3A_183 = arith.cmpi eq, %jit3A_181, %eq3A_182 : i32
    %jit3A_184 = arith.constant 1 : i32
    %select_n3A_185 = arith.select %eq3A_183, %jit3A_184, %jit3A_181 : i32
    %rem3A_186 = arith.remsi %arg1, %select_n3A_185 : i32
    %ne3A_187 = arith.constant 0 : i32
    %ne3A_188 = arith.cmpi ne, %rem3A_186, %ne3A_187 : i32
    %lt3A_189 = arith.constant 0 : i32
    %lt3A_190 = arith.cmpi slt, %rem3A_186, %lt3A_189 : i32
    %lt3A_191 = arith.constant 0 : i32
    %lt3A_192 = arith.cmpi slt, %select_n3A_185, %lt3A_191 : i32
    %ne3A_193 = arith.xori %lt3A_190, %lt3A_192 : i1
    %and3A_194 = arith.andi %ne3A_193, %ne3A_188 : i1
    %add3A_195 = arith.addi %rem3A_186, %select_n3A_185 : i32
    %select_n3A_196 = arith.select %and3A_194, %add3A_195, %rem3A_186 : i32
    %eq3A_197 = arith.constant 0 : i32
    %eq3A_198 = arith.cmpi eq, %select_n3A_196, %eq3A_197 : i32
    %convert_element_type3A = arith.extui %eq3A_198 : i1 to i32
    %cond3A = arith.constant 0 : i32
    %cond3A_199 = arith.cmpi ne, %convert_element_type3A, %cond3A : i32
    scf.if %cond3A_199 {
      %mul3A_221 = arith.constant 2 : i32
      %mul3A_222 = arith.muli %mul3A_180, %mul3A_221 : i32
      %mul3A_223 = arith.constant 16 : i32
      %mul3A_224 = arith.muli %mul3A_222, %mul3A_223 : i32
      "tpu.region"() ({
        %run_scoped3A_328 = tpu.sem_alloc : memref<!tpu.dma_semaphore, #tpu.memory_space<semaphore_mem>>
        %dma_start3A_329 = tpu.memref_slice %arg19[%mul3A_224] : memref<512xf32, #tpu.memory_space<vmem_shared>> -> memref<128xf32, #tpu.memory_space<vmem_shared>>
        %dma_start3A_330 = tpu.memref_slice %arg19[%mul3A_224] : memref<512xf32, #tpu.memory_space<vmem_shared>> -> memref<128xf32, #tpu.memory_space<vmem_shared>>
        tpu.enqueue_dma source(%dma_start3A_330 : memref<128xf32, #tpu.memory_space<vmem_shared>>) target(%arg21 : memref<128xf32, #tpu.memory_space<vmem>>) target_semaphore(%run_scoped3A_328 : memref<!tpu.dma_semaphore, #tpu.memory_space<semaphore_mem>>)
        %dma_wait3A_331 = tpu.memref_slice %arg19[%mul3A_224] : memref<512xf32, #tpu.memory_space<vmem_shared>> -> memref<128xf32, #tpu.memory_space<vmem_shared>>
        %dma_wait3A_332 = tpu.memref_slice %arg19[%mul3A_224] : memref<512xf32, #tpu.memory_space<vmem_shared>> -> memref<128xf32, #tpu.memory_space<vmem_shared>>
        tpu.wait_dma2 semaphore(%run_scoped3A_328 : memref<!tpu.dma_semaphore, #tpu.memory_space<semaphore_mem>>) src(%dma_wait3A_332 : memref<128xf32, #tpu.memory_space<vmem_shared>>) dst(%arg21 : memref<128xf32, #tpu.memory_space<vmem>>)
        tpu.yield
      }) : () -> ()
      %iota3A_225 = tpu.iota {dimensions = array<i32: 0>} : vector<16xi32>
      %broadcast_in_dim3A_226 = arith.constant -3.000000e+38 : f32
      %broadcast_in_dim3A_227 = vector.broadcast %broadcast_in_dim3A_226 : f32 to vector<16xf32>
      %eq3A_228 = arith.constant 0 : i32
      %eq3A_229 = vector.broadcast %eq3A_228 : i32 to vector<16xi32>
      %eq3A_230 = arith.cmpi eq, %iota3A_225, %eq3A_229 : vector<16xi32>
      %get3A_231 = arith.constant 0 : index
      %get3A_232 = tpu.vector_load %arg21[%get3A_231] {strides = array<i32>} : memref<128xf32, #tpu.memory_space<vmem>>, vector<16xf32>,
      %reduce_max3A = arith.constant true
      %reduce_max3A_233 = vector.broadcast %reduce_max3A : i1 to vector<16xi1>
      %reduce_max3A_234 = tpu.scan <max>, %get3A_232 masked %reduce_max3A_233 : vector<16xf32>, vector<16xi1> -> vector<16xf32>
      %reduce_max3A_235 = vector.extract %reduce_max3A_234[15] : f32 from vector<16xf32>
      %broadcast_in_dim3A_236 = vector.broadcast %reduce_max3A_235 : f32 to vector<16xf32>
      %select_n3A_237 = arith.select %eq3A_230, %broadcast_in_dim3A_236, %broadcast_in_dim3A_227 : vector<16xi1>, vector<16xf32>
      %eq3A_238 = arith.constant 1 : i32
      %eq3A_239 = vector.broadcast %eq3A_238 : i32 to vector<16xi32>
      %eq3A_240 = arith.cmpi eq, %iota3A_225, %eq3A_239 : vector<16xi32>
      %get3A_241 = arith.constant 16 : index
      %get3A_242 = tpu.vector_load %arg21[%get3A_241] {strides = array<i32>} : memref<128xf32, #tpu.memory_space<vmem>>, vector<16xf32>,
      %reduce_max3A_243 = arith.constant true
      %reduce_max3A_244 = vector.broadcast %reduce_max3A_243 : i1 to vector<16xi1>
      %reduce_max3A_245 = tpu.scan <max>, %get3A_242 masked %reduce_max3A_244 : vector<16xf32>, vector<16xi1> -> vector<16xf32>
      %reduce_max3A_246 = vector.extract %reduce_max3A_245[15] : f32 from vector<16xf32>
      %broadcast_in_dim3A_247 = vector.broadcast %reduce_max3A_246 : f32 to vector<16xf32>
      %select_n3A_248 = arith.select %eq3A_240, %broadcast_in_dim3A_247, %select_n3A_237 : vector<16xi1>, vector<16xf32>
      %eq3A_249 = arith.constant 2 : i32
      %eq3A_250 = vector.broadcast %eq3A_249 : i32 to vector<16xi32>
      %eq3A_251 = arith.cmpi eq, %iota3A_225, %eq3A_250 : vector<16xi32>
      %get3A_252 = arith.constant 32 : index
      %get3A_253 = tpu.vector_load %arg21[%get3A_252] {strides = array<i32>} : memref<128xf32, #tpu.memory_space<vmem>>, vector<16xf32>,
      %reduce_max3A_254 = arith.constant true
      %reduce_max3A_255 = vector.broadcast %reduce_max3A_254 : i1 to vector<16xi1>
      %reduce_max3A_256 = tpu.scan <max>, %get3A_253 masked %reduce_max3A_255 : vector<16xf32>, vector<16xi1> -> vector<16xf32>
      %reduce_max3A_257 = vector.extract %reduce_max3A_256[15] : f32 from vector<16xf32>
      %broadcast_in_dim3A_258 = vector.broadcast %reduce_max3A_257 : f32 to vector<16xf32>
      %select_n3A_259 = arith.select %eq3A_251, %broadcast_in_dim3A_258, %select_n3A_248 : vector<16xi1>, vector<16xf32>
      %eq3A_260 = arith.constant 3 : i32
      %eq3A_261 = vector.broadcast %eq3A_260 : i32 to vector<16xi32>
      %eq3A_262 = arith.cmpi eq, %iota3A_225, %eq3A_261 : vector<16xi32>
      %get3A_263 = arith.constant 48 : index
      %get3A_264 = tpu.vector_load %arg21[%get3A_263] {strides = array<i32>} : memref<128xf32, #tpu.memory_space<vmem>>, vector<16xf32>,
      %reduce_max3A_265 = arith.constant true
      %reduce_max3A_266 = vector.broadcast %reduce_max3A_265 : i1 to vector<16xi1>
      %reduce_max3A_267 = tpu.scan <max>, %get3A_264 masked %reduce_max3A_266 : vector<16xf32>, vector<16xi1> -> vector<16xf32>
      %reduce_max3A_268 = vector.extract %reduce_max3A_267[15] : f32 from vector<16xf32>
      %broadcast_in_dim3A_269 = vector.broadcast %reduce_max3A_268 : f32 to vector<16xf32>
      %select_n3A_270 = arith.select %eq3A_262, %broadcast_in_dim3A_269, %select_n3A_259 : vector<16xi1>, vector<16xf32>
      %eq3A_271 = arith.constant 4 : i32
      %eq3A_272 = vector.broadcast %eq3A_271 : i32 to vector<16xi32>
      %eq3A_273 = arith.cmpi eq, %iota3A_225, %eq3A_272 : vector<16xi32>
      %get3A_274 = arith.constant 64 : index
      %get3A_275 = tpu.vector_load %arg21[%get3A_274] {strides = array<i32>} : memref<128xf32, #tpu.memory_space<vmem>>, vector<16xf32>,
      %reduce_max3A_276 = arith.constant true
      %reduce_max3A_277 = vector.broadcast %reduce_max3A_276 : i1 to vector<16xi1>
      %reduce_max3A_278 = tpu.scan <max>, %get3A_275 masked %reduce_max3A_277 : vector<16xf32>, vector<16xi1> -> vector<16xf32>
      %reduce_max3A_279 = vector.extract %reduce_max3A_278[15] : f32 from vector<16xf32>
      %broadcast_in_dim3A_280 = vector.broadcast %reduce_max3A_279 : f32 to vector<16xf32>
      %select_n3A_281 = arith.select %eq3A_273, %broadcast_in_dim3A_280, %select_n3A_270 : vector<16xi1>, vector<16xf32>
      %eq3A_282 = arith.constant 5 : i32
      %eq3A_283 = vector.broadcast %eq3A_282 : i32 to vector<16xi32>
      %eq3A_284 = arith.cmpi eq, %iota3A_225, %eq3A_283 : vector<16xi32>
      %get3A_285 = arith.constant 80 : index
      %get3A_286 = tpu.vector_load %arg21[%get3A_285] {strides = array<i32>} : memref<128xf32, #tpu.memory_space<vmem>>, vector<16xf32>,
      %reduce_max3A_287 = arith.constant true
      %reduce_max3A_288 = vector.broadcast %reduce_max3A_287 : i1 to vector<16xi1>
      %reduce_max3A_289 = tpu.scan <max>, %get3A_286 masked %reduce_max3A_288 : vector<16xf32>, vector<16xi1> -> vector<16xf32>
      %reduce_max3A_290 = vector.extract %reduce_max3A_289[15] : f32 from vector<16xf32>
      %broadcast_in_dim3A_291 = vector.broadcast %reduce_max3A_290 : f32 to vector<16xf32>
      %select_n3A_292 = arith.select %eq3A_284, %broadcast_in_dim3A_291, %select_n3A_281 : vector<16xi1>, vector<16xf32>
      %eq3A_293 = arith.constant 6 : i32
      %eq3A_294 = vector.broadcast %eq3A_293 : i32 to vector<16xi32>
      %eq3A_295 = arith.cmpi eq, %iota3A_225, %eq3A_294 : vector<16xi32>
      %get3A_296 = arith.constant 96 : index
      %get3A_297 = tpu.vector_load %arg21[%get3A_296] {strides = array<i32>} : memref<128xf32, #tpu.memory_space<vmem>>, vector<16xf32>,
      %reduce_max3A_298 = arith.constant true
      %reduce_max3A_299 = vector.broadcast %reduce_max3A_298 : i1 to vector<16xi1>
      %reduce_max3A_300 = tpu.scan <max>, %get3A_297 masked %reduce_max3A_299 : vector<16xf32>, vector<16xi1> -> vector<16xf32>
      %reduce_max3A_301 = vector.extract %reduce_max3A_300[15] : f32 from vector<16xf32>
      %broadcast_in_dim3A_302 = vector.broadcast %reduce_max3A_301 : f32 to vector<16xf32>
      %select_n3A_303 = arith.select %eq3A_295, %broadcast_in_dim3A_302, %select_n3A_292 : vector<16xi1>, vector<16xf32>
      %eq3A_304 = arith.constant 7 : i32
      %eq3A_305 = vector.broadcast %eq3A_304 : i32 to vector<16xi32>
      %eq3A_306 = arith.cmpi eq, %iota3A_225, %eq3A_305 : vector<16xi32>
      %get3A_307 = arith.constant 112 : index
      %get3A_308 = tpu.vector_load %arg21[%get3A_307] {strides = array<i32>} : memref<128xf32, #tpu.memory_space<vmem>>, vector<16xf32>,
      %reduce_max3A_309 = arith.constant true
      %reduce_max3A_310 = vector.broadcast %reduce_max3A_309 : i1 to vector<16xi1>
      %reduce_max3A_311 = tpu.scan <max>, %get3A_308 masked %reduce_max3A_310 : vector<16xf32>, vector<16xi1> -> vector<16xf32>
      %reduce_max3A_312 = vector.extract %reduce_max3A_311[15] : f32 from vector<16xf32>
      %broadcast_in_dim3A_313 = vector.broadcast %reduce_max3A_312 : f32 to vector<16xf32>
      %select_n3A_314 = arith.select %eq3A_306, %broadcast_in_dim3A_313, %select_n3A_303 : vector<16xi1>, vector<16xf32>
      %scan3A_315 = arith.constant 0.000000e+00 : f32
      %scan3A_316 = arith.constant 0 : i32
      %scan3A_317 = arith.constant 20 : i32
      %scan3A_318 = arith.addi %scan3A_316, %scan3A_317 : i32
      %scan3A_319 = arith.constant 1 : i32
      %scan3A_320:2 = scf.for %scan3A_328 = %scan3A_316 to %scan3A_318 step %scan3A_319 iter_args(%scan3A_329 = %scan3A_315, %scan3A_330 = %select_n3A_314) -> (f32, vector<16xf32>)  : i32 {
        %reduce_max3A_331 = arith.constant true
        %reduce_max3A_332 = vector.broadcast %reduce_max3A_331 : i1 to vector<16xi1>
        %reduce_max3A_333 = tpu.scan <max>, %scan3A_330 masked %reduce_max3A_332 : vector<16xf32>, vector<16xi1> -> vector<16xf32>
        %reduce_max3A_334 = vector.extract %reduce_max3A_333[15] : f32 from vector<16xf32>
        %eq3A_335 = vector.broadcast %reduce_max3A_334 : f32 to vector<16xf32>
        %eq3A_336 = arith.cmpf oeq, %scan3A_330, %eq3A_335 : vector<16xf32>
        %jit3A_337 = arith.constant 16 : i32
        %broadcast_in_dim3A_338 = vector.broadcast %jit3A_337 : i32 to vector<16xi32>
        %select_n3A_339 = arith.select %eq3A_336, %iota3A_225, %broadcast_in_dim3A_338 : vector<16xi1>, vector<16xi32>
        %reduce_min3A = arith.constant true
        %reduce_min3A_340 = vector.broadcast %reduce_min3A : i1 to vector<16xi1>
        %reduce_min3A_341 = arith.constant -2147483648 : i32
        %reduce_min3A_342 = vector.broadcast %reduce_min3A_341 : i32 to vector<16xi32>
        %reduce_min3A_343 = arith.xori %select_n3A_339, %reduce_min3A_342 : vector<16xi32>
        %reduce_min3A_344 = tpu.scan <min>, %reduce_min3A_343 masked %reduce_min3A_340 : vector<16xi32>, vector<16xi1> -> vector<16xi32>
        %reduce_min3A_345 = arith.xori %reduce_min3A_344, %reduce_min3A_342 : vector<16xi32>
        %reduce_min3A_346 = vector.extract %reduce_min3A_345[15] : i32 from vector<16xi32>
        %mul3A_347 = arith.constant 16 : i32
        %mul3A_348 = arith.muli %reduce_min3A_346, %mul3A_347 : i32
        %get3A_349 = arith.index_cast %mul3A_348 : i32 to index
        %get3A_350 = tpu.vector_load %arg21[%get3A_349] {strides = array<i32>} : memref<128xf32, #tpu.memory_space<vmem>>, vector<16xf32>,
        %eq3A_351 = vector.broadcast %reduce_max3A_334 : f32 to vector<16xf32>
        %eq3A_352 = arith.cmpf oeq, %get3A_350, %eq3A_351 : vector<16xf32>
        %jit3A_353 = arith.constant 16 : i32
        %broadcast_in_dim3A_354 = vector.broadcast %jit3A_353 : i32 to vector<16xi32>
        %select_n3A_355 = arith.select %eq3A_352, %iota3A_225, %broadcast_in_dim3A_354 : vector<16xi1>, vector<16xi32>
        %reduce_min3A_356 = arith.constant true
        %reduce_min3A_357 = vector.broadcast %reduce_min3A_356 : i1 to vector<16xi1>
        %reduce_min3A_358 = arith.constant -2147483648 : i32
        %reduce_min3A_359 = vector.broadcast %reduce_min3A_358 : i32 to vector<16xi32>
        %reduce_min3A_360 = arith.xori %select_n3A_355, %reduce_min3A_359 : vector<16xi32>
        %reduce_min3A_361 = tpu.scan <min>, %reduce_min3A_360 masked %reduce_min3A_357 : vector<16xi32>, vector<16xi1> -> vector<16xi32>
        %reduce_min3A_362 = arith.xori %reduce_min3A_361, %reduce_min3A_359 : vector<16xi32>
        %reduce_min3A_363 = vector.extract %reduce_min3A_362[15] : i32 from vector<16xi32>
        %eq3A_364 = vector.broadcast %reduce_min3A_363 : i32 to vector<16xi32>
        %eq3A_365 = arith.cmpi eq, %iota3A_225, %eq3A_364 : vector<16xi32>
        %jit3A_366 = arith.constant -3.000000e+38 : f32
        %broadcast_in_dim3A_367 = vector.broadcast %jit3A_366 : f32 to vector<16xf32>
        %select_n3A_368 = arith.select %eq3A_365, %broadcast_in_dim3A_367, %get3A_350 : vector<16xi1>, vector<16xf32>
        %mul3A_369 = arith.constant 16 : i32
        %mul3A_370 = arith.muli %reduce_min3A_346, %mul3A_369 : i32
        %swap3A_371 = arith.index_cast %mul3A_370 : i32 to index
        %swap3A_372 = tpu.vector_load %arg21[%swap3A_371] {strides = array<i32>} : memref<128xf32, #tpu.memory_space<vmem>>, vector<16xf32>,
        tpu.vector_store %arg21[%swap3A_371], %select_n3A_368 {strides = array<i32>} : memref<128xf32, #tpu.memory_space<vmem>>, vector<16xf32>,
        %eq3A_373 = vector.broadcast %reduce_min3A_346 : i32 to vector<16xi32>
        %eq3A_374 = arith.cmpi eq, %iota3A_225, %eq3A_373 : vector<16xi32>
        %reduce_max3A_375 = arith.constant true
        %reduce_max3A_376 = vector.broadcast %reduce_max3A_375 : i1 to vector<16xi1>
        %reduce_max3A_377 = tpu.scan <max>, %select_n3A_368 masked %reduce_max3A_376 : vector<16xf32>, vector<16xi1> -> vector<16xf32>
        %reduce_max3A_378 = vector.extract %reduce_max3A_377[15] : f32 from vector<16xf32>
        %broadcast_in_dim3A_379 = vector.broadcast %reduce_max3A_378 : f32 to vector<16xf32>
        %select_n3A_380 = arith.select %eq3A_374, %broadcast_in_dim3A_379, %scan3A_330 : vector<16xi1>, vector<16xf32>
        %add3A_381 = arith.addf %scan3A_329, %reduce_max3A_334 : f32
        scf.yield %add3A_381, %select_n3A_380 : f32, vector<16xf32>
      }
      %scan3A_321 = arith.constant 20 : i32
      %broadcast_in_dim3A_322 = vector.broadcast %scan3A_320#0 : f32 to vector<16xf32>
      %broadcast_in_dim3A_323 = arith.constant 0.000000e+00 : f32
      %broadcast_in_dim3A_324 = vector.broadcast %broadcast_in_dim3A_323 : f32 to vector<16xf32>
      %select_n3A_325 = arith.select %eq3A_97, %broadcast_in_dim3A_322, %broadcast_in_dim3A_324 : vector<16xi1>, vector<16xf32>
      %swap3A_326 = arith.constant 0 : index
      %swap3A_327 = tpu.vector_load %arg22[%swap3A_326] {strides = array<i32>} : memref<16xf32, #tpu.memory_space<vmem>>, vector<16xf32>,
      tpu.vector_store %arg22[%swap3A_326], %select_n3A_325 {strides = array<i32>} : memref<16xf32, #tpu.memory_space<vmem>>, vector<16xf32>,
      %run_scoped3A = arith.constant 0 : i32
      "tpu.region"() ({
        %run_scoped3A_328 = tpu.sem_alloc : memref<!tpu.dma_semaphore, #tpu.memory_space<semaphore_mem>>
        %dma_start3A_329 = arith.constant 0 : i32
        %dma_start3A_330 = tpu.memref_slice %arg4[%select_n3A, %run_scoped3A, %dma_start3A_329] : memref<8x2x16xf32, #tpu.memory_space<hbm>> -> memref<1x1x16xf32, #tpu.memory_space<hbm>>
        %dma_start3A_331 = tpu.memref_squeeze %dma_start3A_330 : memref<1x1x16xf32, #tpu.memory_space<hbm>> -> memref<16xf32, #tpu.memory_space<hbm>>
        %dma_start3A_332 = arith.constant 0 : i32
        %dma_start3A_333 = tpu.memref_slice %arg4[%select_n3A, %run_scoped3A, %dma_start3A_332] : memref<8x2x16xf32, #tpu.memory_space<hbm>> -> memref<1x1x16xf32, #tpu.memory_space<hbm>>
        %dma_start3A_334 = tpu.memref_squeeze %dma_start3A_333 : memref<1x1x16xf32, #tpu.memory_space<hbm>> -> memref<16xf32, #tpu.memory_space<hbm>>
        tpu.enqueue_dma source(%arg22 : memref<16xf32, #tpu.memory_space<vmem>>) target(%dma_start3A_334 : memref<16xf32, #tpu.memory_space<hbm>>) target_semaphore(%run_scoped3A_328 : memref<!tpu.dma_semaphore, #tpu.memory_space<semaphore_mem>>)
        %dma_wait3A_335 = arith.constant 0 : i32
        %dma_wait3A_336 = tpu.memref_slice %arg4[%select_n3A, %run_scoped3A, %dma_wait3A_335] : memref<8x2x16xf32, #tpu.memory_space<hbm>> -> memref<1x1x16xf32, #tpu.memory_space<hbm>>
        %dma_wait3A_337 = tpu.memref_squeeze %dma_wait3A_336 : memref<1x1x16xf32, #tpu.memory_space<hbm>> -> memref<16xf32, #tpu.memory_space<hbm>>
        %dma_wait3A_338 = arith.constant 0 : i32
        %dma_wait3A_339 = tpu.memref_slice %arg4[%select_n3A, %run_scoped3A, %dma_wait3A_338] : memref<8x2x16xf32, #tpu.memory_space<hbm>> -> memref<1x1x16xf32, #tpu.memory_space<hbm>>
        %dma_wait3A_340 = tpu.memref_squeeze %dma_wait3A_339 : memref<1x1x16xf32, #tpu.memory_space<hbm>> -> memref<16xf32, #tpu.memory_space<hbm>>
        tpu.wait_dma2 semaphore(%run_scoped3A_328 : memref<!tpu.dma_semaphore, #tpu.memory_space<semaphore_mem>>) src(%arg22 : memref<16xf32, #tpu.memory_space<vmem>>) dst(%dma_wait3A_340 : memref<16xf32, #tpu.memory_space<hbm>>)
        tpu.yield
      }) : () -> ()
    } else {
    }
    %jit3A_200 = arith.constant 4 : i32
    %eq3A_201 = arith.constant 0 : i32
    %eq3A_202 = arith.cmpi eq, %jit3A_200, %eq3A_201 : i32
    %jit3A_203 = arith.constant 1 : i32
    %select_n3A_204 = arith.select %eq3A_202, %jit3A_203, %jit3A_200 : i32
    %rem3A_205 = arith.remsi %arg1, %select_n3A_204 : i32
    %ne3A_206 = arith.constant 0 : i32
    %ne3A_207 = arith.cmpi ne, %rem3A_205, %ne3A_206 : i32
    %lt3A_208 = arith.constant 0 : i32
    %lt3A_209 = arith.cmpi slt, %rem3A_205, %lt3A_208 : i32
    %lt3A_210 = arith.constant 0 : i32
    %lt3A_211 = arith.cmpi slt, %select_n3A_204, %lt3A_210 : i32
    %ne3A_212 = arith.xori %lt3A_209, %lt3A_211 : i1
    %and3A_213 = arith.andi %ne3A_212, %ne3A_207 : i1
    %add3A_214 = arith.addi %rem3A_205, %select_n3A_204 : i32
    %select_n3A_215 = arith.select %and3A_213, %add3A_214, %rem3A_205 : i32
    %eq3A_216 = arith.constant 1 : i32
    %eq3A_217 = arith.cmpi eq, %select_n3A_215, %eq3A_216 : i32
    %convert_element_type3A_218 = arith.extui %eq3A_217 : i1 to i32
    %cond3A_219 = arith.constant 0 : i32
    %cond3A_220 = arith.cmpi ne, %convert_element_type3A_218, %cond3A_219 : i32
    scf.if %cond3A_220 {
      %mul3A_221 = arith.constant 2 : i32
      %mul3A_222 = arith.muli %mul3A_180, %mul3A_221 : i32
      %mul3A_223 = arith.constant 16 : i32
      %mul3A_224 = arith.muli %mul3A_222, %mul3A_223 : i32
      "tpu.region"() ({
        %run_scoped3A_328 = tpu.sem_alloc : memref<!tpu.dma_semaphore, #tpu.memory_space<semaphore_mem>>
        %dma_start3A_329 = tpu.memref_slice %arg18[%mul3A_224] : memref<512xf32, #tpu.memory_space<vmem_shared>> -> memref<128xf32, #tpu.memory_space<vmem_shared>>
        %dma_start3A_330 = tpu.memref_slice %arg18[%mul3A_224] : memref<512xf32, #tpu.memory_space<vmem_shared>> -> memref<128xf32, #tpu.memory_space<vmem_shared>>
        tpu.enqueue_dma source(%dma_start3A_330 : memref<128xf32, #tpu.memory_space<vmem_shared>>) target(%arg20 : memref<128xf32, #tpu.memory_space<vmem>>) target_semaphore(%run_scoped3A_328 : memref<!tpu.dma_semaphore, #tpu.memory_space<semaphore_mem>>)
        %dma_wait3A_331 = tpu.memref_slice %arg18[%mul3A_224] : memref<512xf32, #tpu.memory_space<vmem_shared>> -> memref<128xf32, #tpu.memory_space<vmem_shared>>
        %dma_wait3A_332 = tpu.memref_slice %arg18[%mul3A_224] : memref<512xf32, #tpu.memory_space<vmem_shared>> -> memref<128xf32, #tpu.memory_space<vmem_shared>>
        tpu.wait_dma2 semaphore(%run_scoped3A_328 : memref<!tpu.dma_semaphore, #tpu.memory_space<semaphore_mem>>) src(%dma_wait3A_332 : memref<128xf32, #tpu.memory_space<vmem_shared>>) dst(%arg20 : memref<128xf32, #tpu.memory_space<vmem>>)
        tpu.yield
      }) : () -> ()
      %iota3A_225 = tpu.iota {dimensions = array<i32: 0>} : vector<16xi32>
      %broadcast_in_dim3A_226 = arith.constant -3.000000e+38 : f32
      %broadcast_in_dim3A_227 = vector.broadcast %broadcast_in_dim3A_226 : f32 to vector<16xf32>
      %eq3A_228 = arith.constant 0 : i32
      %eq3A_229 = vector.broadcast %eq3A_228 : i32 to vector<16xi32>
      %eq3A_230 = arith.cmpi eq, %iota3A_225, %eq3A_229 : vector<16xi32>
      %get3A_231 = arith.constant 0 : index
      %get3A_232 = tpu.vector_load %arg20[%get3A_231] {strides = array<i32>} : memref<128xf32, #tpu.memory_space<vmem>>, vector<16xf32>,
      %reduce_max3A = arith.constant true
      %reduce_max3A_233 = vector.broadcast %reduce_max3A : i1 to vector<16xi1>
      %reduce_max3A_234 = tpu.scan <max>, %get3A_232 masked %reduce_max3A_233 : vector<16xf32>, vector<16xi1> -> vector<16xf32>
      %reduce_max3A_235 = vector.extract %reduce_max3A_234[15] : f32 from vector<16xf32>
      %broadcast_in_dim3A_236 = vector.broadcast %reduce_max3A_235 : f32 to vector<16xf32>
      %select_n3A_237 = arith.select %eq3A_230, %broadcast_in_dim3A_236, %broadcast_in_dim3A_227 : vector<16xi1>, vector<16xf32>
      %eq3A_238 = arith.constant 1 : i32
      %eq3A_239 = vector.broadcast %eq3A_238 : i32 to vector<16xi32>
      %eq3A_240 = arith.cmpi eq, %iota3A_225, %eq3A_239 : vector<16xi32>
      %get3A_241 = arith.constant 16 : index
      %get3A_242 = tpu.vector_load %arg20[%get3A_241] {strides = array<i32>} : memref<128xf32, #tpu.memory_space<vmem>>, vector<16xf32>,
      %reduce_max3A_243 = arith.constant true
      %reduce_max3A_244 = vector.broadcast %reduce_max3A_243 : i1 to vector<16xi1>
      %reduce_max3A_245 = tpu.scan <max>, %get3A_242 masked %reduce_max3A_244 : vector<16xf32>, vector<16xi1> -> vector<16xf32>
      %reduce_max3A_246 = vector.extract %reduce_max3A_245[15] : f32 from vector<16xf32>
      %broadcast_in_dim3A_247 = vector.broadcast %reduce_max3A_246 : f32 to vector<16xf32>
      %select_n3A_248 = arith.select %eq3A_240, %broadcast_in_dim3A_247, %select_n3A_237 : vector<16xi1>, vector<16xf32>
      %eq3A_249 = arith.constant 2 : i32
      %eq3A_250 = vector.broadcast %eq3A_249 : i32 to vector<16xi32>
      %eq3A_251 = arith.cmpi eq, %iota3A_225, %eq3A_250 : vector<16xi32>
      %get3A_252 = arith.constant 32 : index
      %get3A_253 = tpu.vector_load %arg20[%get3A_252] {strides = array<i32>} : memref<128xf32, #tpu.memory_space<vmem>>, vector<16xf32>,
      %reduce_max3A_254 = arith.constant true
      %reduce_max3A_255 = vector.broadcast %reduce_max3A_254 : i1 to vector<16xi1>
      %reduce_max3A_256 = tpu.scan <max>, %get3A_253 masked %reduce_max3A_255 : vector<16xf32>, vector<16xi1> -> vector<16xf32>
      %reduce_max3A_257 = vector.extract %reduce_max3A_256[15] : f32 from vector<16xf32>
      %broadcast_in_dim3A_258 = vector.broadcast %reduce_max3A_257 : f32 to vector<16xf32>
      %select_n3A_259 = arith.select %eq3A_251, %broadcast_in_dim3A_258, %select_n3A_248 : vector<16xi1>, vector<16xf32>
      %eq3A_260 = arith.constant 3 : i32
      %eq3A_261 = vector.broadcast %eq3A_260 : i32 to vector<16xi32>
      %eq3A_262 = arith.cmpi eq, %iota3A_225, %eq3A_261 : vector<16xi32>
      %get3A_263 = arith.constant 48 : index
      %get3A_264 = tpu.vector_load %arg20[%get3A_263] {strides = array<i32>} : memref<128xf32, #tpu.memory_space<vmem>>, vector<16xf32>,
      %reduce_max3A_265 = arith.constant true
      %reduce_max3A_266 = vector.broadcast %reduce_max3A_265 : i1 to vector<16xi1>
      %reduce_max3A_267 = tpu.scan <max>, %get3A_264 masked %reduce_max3A_266 : vector<16xf32>, vector<16xi1> -> vector<16xf32>
      %reduce_max3A_268 = vector.extract %reduce_max3A_267[15] : f32 from vector<16xf32>
      %broadcast_in_dim3A_269 = vector.broadcast %reduce_max3A_268 : f32 to vector<16xf32>
      %select_n3A_270 = arith.select %eq3A_262, %broadcast_in_dim3A_269, %select_n3A_259 : vector<16xi1>, vector<16xf32>
      %eq3A_271 = arith.constant 4 : i32
      %eq3A_272 = vector.broadcast %eq3A_271 : i32 to vector<16xi32>
      %eq3A_273 = arith.cmpi eq, %iota3A_225, %eq3A_272 : vector<16xi32>
      %get3A_274 = arith.constant 64 : index
      %get3A_275 = tpu.vector_load %arg20[%get3A_274] {strides = array<i32>} : memref<128xf32, #tpu.memory_space<vmem>>, vector<16xf32>,
      %reduce_max3A_276 = arith.constant true
      %reduce_max3A_277 = vector.broadcast %reduce_max3A_276 : i1 to vector<16xi1>
      %reduce_max3A_278 = tpu.scan <max>, %get3A_275 masked %reduce_max3A_277 : vector<16xf32>, vector<16xi1> -> vector<16xf32>
      %reduce_max3A_279 = vector.extract %reduce_max3A_278[15] : f32 from vector<16xf32>
      %broadcast_in_dim3A_280 = vector.broadcast %reduce_max3A_279 : f32 to vector<16xf32>
      %select_n3A_281 = arith.select %eq3A_273, %broadcast_in_dim3A_280, %select_n3A_270 : vector<16xi1>, vector<16xf32>
      %eq3A_282 = arith.constant 5 : i32
      %eq3A_283 = vector.broadcast %eq3A_282 : i32 to vector<16xi32>
      %eq3A_284 = arith.cmpi eq, %iota3A_225, %eq3A_283 : vector<16xi32>
      %get3A_285 = arith.constant 80 : index
      %get3A_286 = tpu.vector_load %arg20[%get3A_285] {strides = array<i32>} : memref<128xf32, #tpu.memory_space<vmem>>, vector<16xf32>,
      %reduce_max3A_287 = arith.constant true
      %reduce_max3A_288 = vector.broadcast %reduce_max3A_287 : i1 to vector<16xi1>
      %reduce_max3A_289 = tpu.scan <max>, %get3A_286 masked %reduce_max3A_288 : vector<16xf32>, vector<16xi1> -> vector<16xf32>
      %reduce_max3A_290 = vector.extract %reduce_max3A_289[15] : f32 from vector<16xf32>
      %broadcast_in_dim3A_291 = vector.broadcast %reduce_max3A_290 : f32 to vector<16xf32>
      %select_n3A_292 = arith.select %eq3A_284, %broadcast_in_dim3A_291, %select_n3A_281 : vector<16xi1>, vector<16xf32>
      %eq3A_293 = arith.constant 6 : i32
      %eq3A_294 = vector.broadcast %eq3A_293 : i32 to vector<16xi32>
      %eq3A_295 = arith.cmpi eq, %iota3A_225, %eq3A_294 : vector<16xi32>
      %get3A_296 = arith.constant 96 : index
      %get3A_297 = tpu.vector_load %arg20[%get3A_296] {strides = array<i32>} : memref<128xf32, #tpu.memory_space<vmem>>, vector<16xf32>,
      %reduce_max3A_298 = arith.constant true
      %reduce_max3A_299 = vector.broadcast %reduce_max3A_298 : i1 to vector<16xi1>
      %reduce_max3A_300 = tpu.scan <max>, %get3A_297 masked %reduce_max3A_299 : vector<16xf32>, vector<16xi1> -> vector<16xf32>
      %reduce_max3A_301 = vector.extract %reduce_max3A_300[15] : f32 from vector<16xf32>
      %broadcast_in_dim3A_302 = vector.broadcast %reduce_max3A_301 : f32 to vector<16xf32>
      %select_n3A_303 = arith.select %eq3A_295, %broadcast_in_dim3A_302, %select_n3A_292 : vector<16xi1>, vector<16xf32>
      %eq3A_304 = arith.constant 7 : i32
      %eq3A_305 = vector.broadcast %eq3A_304 : i32 to vector<16xi32>
      %eq3A_306 = arith.cmpi eq, %iota3A_225, %eq3A_305 : vector<16xi32>
      %get3A_307 = arith.constant 112 : index
      %get3A_308 = tpu.vector_load %arg20[%get3A_307] {strides = array<i32>} : memref<128xf32, #tpu.memory_space<vmem>>, vector<16xf32>,
      %reduce_max3A_309 = arith.constant true
      %reduce_max3A_310 = vector.broadcast %reduce_max3A_309 : i1 to vector<16xi1>
      %reduce_max3A_311 = tpu.scan <max>, %get3A_308 masked %reduce_max3A_310 : vector<16xf32>, vector<16xi1> -> vector<16xf32>
      %reduce_max3A_312 = vector.extract %reduce_max3A_311[15] : f32 from vector<16xf32>
      %broadcast_in_dim3A_313 = vector.broadcast %reduce_max3A_312 : f32 to vector<16xf32>
      %select_n3A_314 = arith.select %eq3A_306, %broadcast_in_dim3A_313, %select_n3A_303 : vector<16xi1>, vector<16xf32>
      %scan3A_315 = arith.constant 0.000000e+00 : f32
      %scan3A_316 = arith.constant 0 : i32
      %scan3A_317 = arith.constant 20 : i32
      %scan3A_318 = arith.addi %scan3A_316, %scan3A_317 : i32
      %scan3A_319 = arith.constant 1 : i32
      %scan3A_320:2 = scf.for %scan3A_328 = %scan3A_316 to %scan3A_318 step %scan3A_319 iter_args(%scan3A_329 = %scan3A_315, %scan3A_330 = %select_n3A_314) -> (f32, vector<16xf32>)  : i32 {
        %reduce_max3A_331 = arith.constant true
        %reduce_max3A_332 = vector.broadcast %reduce_max3A_331 : i1 to vector<16xi1>
        %reduce_max3A_333 = tpu.scan <max>, %scan3A_330 masked %reduce_max3A_332 : vector<16xf32>, vector<16xi1> -> vector<16xf32>
        %reduce_max3A_334 = vector.extract %reduce_max3A_333[15] : f32 from vector<16xf32>
        %eq3A_335 = vector.broadcast %reduce_max3A_334 : f32 to vector<16xf32>
        %eq3A_336 = arith.cmpf oeq, %scan3A_330, %eq3A_335 : vector<16xf32>
        %jit3A_337 = arith.constant 16 : i32
        %broadcast_in_dim3A_338 = vector.broadcast %jit3A_337 : i32 to vector<16xi32>
        %select_n3A_339 = arith.select %eq3A_336, %iota3A_225, %broadcast_in_dim3A_338 : vector<16xi1>, vector<16xi32>
        %reduce_min3A = arith.constant true
        %reduce_min3A_340 = vector.broadcast %reduce_min3A : i1 to vector<16xi1>
        %reduce_min3A_341 = arith.constant -2147483648 : i32
        %reduce_min3A_342 = vector.broadcast %reduce_min3A_341 : i32 to vector<16xi32>
        %reduce_min3A_343 = arith.xori %select_n3A_339, %reduce_min3A_342 : vector<16xi32>
        %reduce_min3A_344 = tpu.scan <min>, %reduce_min3A_343 masked %reduce_min3A_340 : vector<16xi32>, vector<16xi1> -> vector<16xi32>
        %reduce_min3A_345 = arith.xori %reduce_min3A_344, %reduce_min3A_342 : vector<16xi32>
        %reduce_min3A_346 = vector.extract %reduce_min3A_345[15] : i32 from vector<16xi32>
        %mul3A_347 = arith.constant 16 : i32
        %mul3A_348 = arith.muli %reduce_min3A_346, %mul3A_347 : i32
        %get3A_349 = arith.index_cast %mul3A_348 : i32 to index
        %get3A_350 = tpu.vector_load %arg20[%get3A_349] {strides = array<i32>} : memref<128xf32, #tpu.memory_space<vmem>>, vector<16xf32>,
        %eq3A_351 = vector.broadcast %reduce_max3A_334 : f32 to vector<16xf32>
        %eq3A_352 = arith.cmpf oeq, %get3A_350, %eq3A_351 : vector<16xf32>
        %jit3A_353 = arith.constant 16 : i32
        %broadcast_in_dim3A_354 = vector.broadcast %jit3A_353 : i32 to vector<16xi32>
        %select_n3A_355 = arith.select %eq3A_352, %iota3A_225, %broadcast_in_dim3A_354 : vector<16xi1>, vector<16xi32>
        %reduce_min3A_356 = arith.constant true
        %reduce_min3A_357 = vector.broadcast %reduce_min3A_356 : i1 to vector<16xi1>
        %reduce_min3A_358 = arith.constant -2147483648 : i32
        %reduce_min3A_359 = vector.broadcast %reduce_min3A_358 : i32 to vector<16xi32>
        %reduce_min3A_360 = arith.xori %select_n3A_355, %reduce_min3A_359 : vector<16xi32>
        %reduce_min3A_361 = tpu.scan <min>, %reduce_min3A_360 masked %reduce_min3A_357 : vector<16xi32>, vector<16xi1> -> vector<16xi32>
        %reduce_min3A_362 = arith.xori %reduce_min3A_361, %reduce_min3A_359 : vector<16xi32>
        %reduce_min3A_363 = vector.extract %reduce_min3A_362[15] : i32 from vector<16xi32>
        %eq3A_364 = vector.broadcast %reduce_min3A_363 : i32 to vector<16xi32>
        %eq3A_365 = arith.cmpi eq, %iota3A_225, %eq3A_364 : vector<16xi32>
        %jit3A_366 = arith.constant -3.000000e+38 : f32
        %broadcast_in_dim3A_367 = vector.broadcast %jit3A_366 : f32 to vector<16xf32>
        %select_n3A_368 = arith.select %eq3A_365, %broadcast_in_dim3A_367, %get3A_350 : vector<16xi1>, vector<16xf32>
        %mul3A_369 = arith.constant 16 : i32
        %mul3A_370 = arith.muli %reduce_min3A_346, %mul3A_369 : i32
        %swap3A_371 = arith.index_cast %mul3A_370 : i32 to index
        %swap3A_372 = tpu.vector_load %arg20[%swap3A_371] {strides = array<i32>} : memref<128xf32, #tpu.memory_space<vmem>>, vector<16xf32>,
        tpu.vector_store %arg20[%swap3A_371], %select_n3A_368 {strides = array<i32>} : memref<128xf32, #tpu.memory_space<vmem>>, vector<16xf32>,
        %eq3A_373 = vector.broadcast %reduce_min3A_346 : i32 to vector<16xi32>
        %eq3A_374 = arith.cmpi eq, %iota3A_225, %eq3A_373 : vector<16xi32>
        %reduce_max3A_375 = arith.constant true
        %reduce_max3A_376 = vector.broadcast %reduce_max3A_375 : i1 to vector<16xi1>
        %reduce_max3A_377 = tpu.scan <max>, %select_n3A_368 masked %reduce_max3A_376 : vector<16xf32>, vector<16xi1> -> vector<16xf32>
        %reduce_max3A_378 = vector.extract %reduce_max3A_377[15] : f32 from vector<16xf32>
        %broadcast_in_dim3A_379 = vector.broadcast %reduce_max3A_378 : f32 to vector<16xf32>
        %select_n3A_380 = arith.select %eq3A_374, %broadcast_in_dim3A_379, %scan3A_330 : vector<16xi1>, vector<16xf32>
        %add3A_381 = arith.addf %scan3A_329, %reduce_max3A_334 : f32
        scf.yield %add3A_381, %select_n3A_380 : f32, vector<16xf32>
      }
      %scan3A_321 = arith.constant 20 : i32
      %broadcast_in_dim3A_322 = vector.broadcast %scan3A_320#0 : f32 to vector<16xf32>
      %broadcast_in_dim3A_323 = arith.constant 0.000000e+00 : f32
      %broadcast_in_dim3A_324 = vector.broadcast %broadcast_in_dim3A_323 : f32 to vector<16xf32>
      %select_n3A_325 = arith.select %eq3A_97, %broadcast_in_dim3A_322, %broadcast_in_dim3A_324 : vector<16xi1>, vector<16xf32>
      %swap3A_326 = arith.constant 0 : index
      %swap3A_327 = tpu.vector_load %arg22[%swap3A_326] {strides = array<i32>} : memref<16xf32, #tpu.memory_space<vmem>>, vector<16xf32>,
      tpu.vector_store %arg22[%swap3A_326], %select_n3A_325 {strides = array<i32>} : memref<16xf32, #tpu.memory_space<vmem>>, vector<16xf32>,
      %run_scoped3A = arith.constant 1 : i32
      "tpu.region"() ({
        %run_scoped3A_328 = tpu.sem_alloc : memref<!tpu.dma_semaphore, #tpu.memory_space<semaphore_mem>>
        %dma_start3A_329 = arith.constant 0 : i32
        %dma_start3A_330 = tpu.memref_slice %arg4[%select_n3A, %run_scoped3A, %dma_start3A_329] : memref<8x2x16xf32, #tpu.memory_space<hbm>> -> memref<1x1x16xf32, #tpu.memory_space<hbm>>
        %dma_start3A_331 = tpu.memref_squeeze %dma_start3A_330 : memref<1x1x16xf32, #tpu.memory_space<hbm>> -> memref<16xf32, #tpu.memory_space<hbm>>
        %dma_start3A_332 = arith.constant 0 : i32
        %dma_start3A_333 = tpu.memref_slice %arg4[%select_n3A, %run_scoped3A, %dma_start3A_332] : memref<8x2x16xf32, #tpu.memory_space<hbm>> -> memref<1x1x16xf32, #tpu.memory_space<hbm>>
        %dma_start3A_334 = tpu.memref_squeeze %dma_start3A_333 : memref<1x1x16xf32, #tpu.memory_space<hbm>> -> memref<16xf32, #tpu.memory_space<hbm>>
        tpu.enqueue_dma source(%arg22 : memref<16xf32, #tpu.memory_space<vmem>>) target(%dma_start3A_334 : memref<16xf32, #tpu.memory_space<hbm>>) target_semaphore(%run_scoped3A_328 : memref<!tpu.dma_semaphore, #tpu.memory_space<semaphore_mem>>)
        %dma_wait3A_335 = arith.constant 0 : i32
        %dma_wait3A_336 = tpu.memref_slice %arg4[%select_n3A, %run_scoped3A, %dma_wait3A_335] : memref<8x2x16xf32, #tpu.memory_space<hbm>> -> memref<1x1x16xf32, #tpu.memory_space<hbm>>
        %dma_wait3A_337 = tpu.memref_squeeze %dma_wait3A_336 : memref<1x1x16xf32, #tpu.memory_space<hbm>> -> memref<16xf32, #tpu.memory_space<hbm>>
        %dma_wait3A_338 = arith.constant 0 : i32
        %dma_wait3A_339 = tpu.memref_slice %arg4[%select_n3A, %run_scoped3A, %dma_wait3A_338] : memref<8x2x16xf32, #tpu.memory_space<hbm>> -> memref<1x1x16xf32, #tpu.memory_space<hbm>>
        %dma_wait3A_340 = tpu.memref_squeeze %dma_wait3A_339 : memref<1x1x16xf32, #tpu.memory_space<hbm>> -> memref<16xf32, #tpu.memory_space<hbm>>
        tpu.wait_dma2 semaphore(%run_scoped3A_328 : memref<!tpu.dma_semaphore, #tpu.memory_space<semaphore_mem>>) src(%arg22 : memref<16xf32, #tpu.memory_space<vmem>>) dst(%dma_wait3A_340 : memref<16xf32, #tpu.memory_space<hbm>>)
        tpu.yield
      }) : () -> ()
    } else {
    }
    return
  }
}

</mosaic_0001>

<sc_bundles>
// kernel: _sc_call.3.cloned.1.call-start
scs
__scs_entry_jumppad:
0x0: {  	(pc) =	sbr.rel $0x88, $3  }
0x1: {  	(tag) =	ssettag $0x0;
	lr =	simm.s32 $0x1  }
0x2: {  	[smem:$0x3F9F] =	sst lr;
	_ =	strace $0xD0000000  }
0x3: {  	_ = 	snop  }
0x4: {  	_ = 	snop  }
0x5: {  	_ = 	snop  }
0x6: {  	_ = 	snop  }
0x7: {  	_ = 	snop  }
__scs_overlays_trampoline_lowered:
0x8: {  	[smem:$0x3FAE] =	sst s0  }
0x9: {  	[smem:$0x3FAF] =	sst s1  }
0xa: {  	[smem:$0x3FB0] =	sst s2  }
0xb: {  	[smem:$0x3FB1] =	sst s3  }
0xc: {  	[smem:$0x3FB2] =	sst s4  }
0xd: {  	[smem:$0x3FB3] =	sst s5  }
0xe: {  	[smem:$0x3FB4] =	sst s6  }
0xf: {  	[smem:$0x3FB5] =	sst s7  }
0x10: {  	[smem:$0x3FB6] =	sst s8  }
0x11: {  	[smem:$0x3FB7] =	sst s9;
	s0 =	simm.s32 @!p0 $0x0  }
0x12: {  	s1 =	sld [smem:$0x3F9D];
	s0 =	simm.s32 @p0 $0x1  }
0x13: {  	[smem:$0x3FB8] =	sst s0;
	s0 =	simm.s32 @!p1 $0x0  }
0x14: {  	s2 =	sld [smem:$0x3F9C];
	s0 =	simm.s32 @p1 $0x1  }
0x15: {  	[smem:$0x3FB9] =	sst s0;
	s0 =	simm.s32 @!p2 $0x0  }
0x16: {  	s3 =	sld [smem:$0x3FDB];
	s0 =	simm.s32 @p2 $0x1  }
0x17: {  	s4 =	simm.s32 $0x1BF5;
	[smem:$0x3FBB] =	sst s0  }
0x18: {  	s0 =	sld [smem:$0x3F9E];
	_ =	swait.ge [sflag:s4], $0x0  }
0x19: {  	s7 =	sld [smem:$0x3F9F]  }
0x1a: {  	s8 =	sadd.s32 $0xFFFFE003, lr  }
0x1b: {  	s9 =	sadd.s32 $0xFFFFFEF7, lr;
	s5 =	simm.s32 $0xFFFFFFFF;
	p2 =	slt.u32 s8, $0xFFFFF086  }
0x1c: {  	p1 =	slt.u32 s9, $0xF7A;
	s5 =	simm.s32 @!p2 $0x0  }
0x1d: {  	s5 =	simm.s32 @p1 $0x1;
	p0 =	seq.s32 s7, s2  }
0x1e: {  	s7 =	smul.u32 @!p0 $0xF7A, s2;
	p2 =	seq.s32 @!p0 s5, $0x0  }
0x1f: {  	s9 =	smul.u32 $0xF7A, s1;
	s8 =	simm.s32 @!p0 $0x1BF5;
	p2 =	por !p2, p0  }
0x20: {  	[sflag:s8] =	ssyncset.s32 @!p0 $0xFFFFF086;
	s6 =	sadd.s32 @!p0 s3, s7;
	s7 =	simm.s32 @!p0 $0x108  }
0x21: {  	s3 =	sadd.s32 s3, s9;
	s6 =	sadd.s32 @!p0 $0x88, s6;
	s7 =	simm.s32 @p2 $0x1082  }
0x22: {  	[simem:s7], [sflag:s8] =	dma.local @!p0 [hbm:s6], $0xF7A  }
0x23: {  	s9 =	sor.u32 $0xD0000000, s2;
	s6 =	simm.s32 $0x108;
	_ =	swait.ge @!p0 [sflag:s8], $0x0  }
0x24: {  	s3 =	sadd.s32 $0x88, s3;
	s6 =	simm.s32 @!p1 $0x1082;
	[sflag:s4] =	ssyncset.s32 $0xFFFFF086  }
0x25: {  	[simem:s6], [sflag:s4] =	dma.local [hbm:s3], $0xF7A  }
0x26: {  	[smem:$0x3F9F] =	sst s1;
	(tag) =	ssettag s2;
	_ =	strace s9  }
0x27: {  	s1 =	sld [smem:$0x3FAF]  }
0x28: {  	s2 =	sld [smem:$0x3FB0]  }
0x29: {  	s4 =	sld [smem:$0x3FB2]  }
0x2a: {  	p0 =	seq.s32 s5, $0x0;
	s5 =	sld [smem:$0x3FB3]  }
0x2b: {  	s6 =	sld [smem:$0x3FB4]  }
0x2c: {  	s7 =	sld [smem:$0x3FB5]  }
0x2d: {  	s3 =	simm.s32 $0x108;
	s8 =	sld [smem:$0x3FB6]  }
0x2e: {  	s3 =	simm.s32 @!p0 $0x1082;
	s9 =	sld [smem:$0x3FB7]  }
0x2f: {  	lr =	sadd.s32 s0, s3;
	s0 =	sld [smem:$0x3FAE]  }
0x30: {  	s3 =	sld [smem:$0x3FB1]  }
0x31: {  	[smem:$0x3FBA] =	sst s10  }
0x32: {  	s10 =	sld [smem:$0x3FB8];
	_ =	sdelay $0x3  }
0x33: {  	p0 =	seq.s32 s10, $0x1;
	s10 =	sld [smem:$0x3FBA];
	_ =	sdelay $0x3  }
0x34: {  	[smem:$0x3FBA] =	sst s10  }
0x35: {  	s10 =	sld [smem:$0x3FB9];
	_ =	sdelay $0x3  }
0x36: {  	p1 =	seq.s32 s10, $0x1;
	s10 =	sld [smem:$0x3FBA];
	_ =	sdelay $0x3  }
0x37: {  	[smem:$0x3FBA] =	sst s10  }
0x38: {  	s10 =	sld [smem:$0x3FBB]  }
0x39: {  	_ = 	snop;
	(pc) =	sbr.ind lr, $3  }
0x3a: {  	_ = 	snop  }
0x3b: {  	_ = 	snop  }
0x3c: {  	p2 =	seq.s32 s10, $0x1;
	s10 =	sld [smem:$0x3FBA]  }
0x3d: {  	_ =	shalt  }
0x3e: {  	_ =	shalt  }
0x3f: {  	_ =	shalt  }
0x40: {  	_ =	shalt  }
0x41: {  	_ =	shalt  }
0x42: {  	_ =	shalt  }
0x43: {  	_ =	shalt  }
0x44: {  	_ =	shalt  }
0x45: {  	_ =	shalt  }
0x46: {  	_ =	shalt  }
0x47: {  	_ =	shalt  }
0x48: {  	_ =	shalt  }
0x49: {  	_ =	shalt  }
0x4a: {  	_ =	shalt  }
0x4b: {  	_ =	shalt  }
0x4c: {  	_ =	shalt  }
0x4d: {  	_ =	shalt  }
0x4e: {  	_ =	shalt  }
0x4f: {  	_ =	shalt  }
0x50: {  	_ =	shalt  }
0x51: {  	_ =	shalt  }
0x52: {  	_ =	shalt  }
0x53: {  	_ =	shalt  }
0x54: {  	_ =	shalt  }
0x55: {  	_ =	shalt  }
0x56: {  	_ =	shalt  }
0x57: {  	_ =	shalt  }
0x58: {  	_ =	shalt  }
0x59: {  	_ =	shalt  }
0x5a: {  	_ =	shalt  }
0x5b: {  	_ =	shalt  }
0x5c: {  	_ =	shalt  }
0x5d: {  	_ =	shalt  }
0x5e: {  	_ =	shalt  }
0x5f: {  	_ =	shalt  }
0x60: {  	_ =	shalt  }
0x61: {  	_ =	shalt  }
0x62: {  	_ =	shalt  }
0x63: {  	_ =	shalt  }
0x64: {  	_ =	shalt  }
0x65: {  	_ =	shalt  }
0x66: {  	_ =	shalt  }
0x67: {  	_ =	shalt  }
0x68: {  	_ =	shalt  }
0x69: {  	_ =	shalt  }
0x6a: {  	_ =	shalt  }
0x6b: {  	_ =	shalt  }
0x6c: {  	_ =	shalt  }
0x6d: {  	_ =	shalt  }
0x6e: {  	_ =	shalt  }
0x6f: {  	_ =	shalt  }
0x70: {  	_ =	shalt  }
0x71: {  	_ =	shalt  }
0x72: {  	_ =	shalt  }
0x73: {  	_ =	shalt  }
0x74: {  	_ =	shalt  }
0x75: {  	_ =	shalt  }
0x76: {  	_ =	shalt  }
0x77: {  	_ =	shalt  }
0x78: {  	_ =	shalt  }
0x79: {  	_ =	shalt  }
0x7a: {  	_ =	shalt  }
0x7b: {  	_ =	shalt  }
0x7c: {  	_ =	shalt  }
0x7d: {  	_ =	shalt  }
0x7e: {  	_ =	shalt  }
0x7f: {  	_ =	shalt  }
0x80: {  	_ =	shalt  }
0x81: {  	_ =	shalt  }
0x82: {  	_ =	shalt  }
0x83: {  	_ =	shalt  }
0x84: {  	_ =	shalt  }
0x85: {  	_ =	shalt  }
0x86: {  	_ =	shalt  }
0x87: {  	_ =	shalt  }
.Lfunc_end0:
.L_simem_size_0:
called_computation_lowered:
.L_overlay_start_0:
0x88: {  	s2 =	sld [smem:$0x3FD9]  }
0x89: {  	s3 =	sld [smem:$0x3FFE];
	_ =	sdelay $0x1  }
0x8a: {  	s1 =	srdreg.scid  }
0x8b: {  	s0 =	sand.u32 $0x1, s1  }
0x8c: {  	s17 =	sshll.u32 s0, $0xA;
	s2 =	sadd.s32 s3, s2  }
0x8d: {  	s2 =	sadd.s32 s2, s17  }
0x8e: {  	[smem:$0x3FC6] =	sst s2  }
0x8f: {  	_ = 	snop  }
0x90: {  	s2 =	sld [smem:$0x3FD0];
	(tm) =	ssettm $0x1  }
0x91: {  	s18 =	sld [smem:$0x3FFB];
	_ =	sdelay $0x3  }
0x92: {  	_ =	strace s18  }
0x93: {  	s3 =	sld [smem:$0x3FFC];
	_ =	sdelay $0x3  }
0x94: {  	_ =	strace s3  }
0x95: {  	s3 =	sld [smem:$0x3FFD];
	_ =	sdelay $0x3  }
0x96: {  	_ =	strace s3  }
0x97: {  	_ =	strace $0x8FFFFFFF  }
0x98: {  	s19 =	sld [smem:$0x3FDB];
	_ =	sdelay $0x1  }
0x99: {  	s4 =	simm.s32 $_scs_section_size  }
0x9a: {  	s5 =	simm.s32 $_size__tile_overlayer_lowered;
	s6 =	simm.s32 $_tile_overlayer_lowered  }
0x9b: {  	s22 =	simm.s32 $0x1BFF;
	s21 =	sshll.u32 s6, $0x1;
	s3 =	sadd.s32 s4, s19  }
0x9c: {  	s7 =	simm.s32 $0x0;
	s20 =	sshll.u32 s5, $0x1;
	s5 =	sadd.s32 s21, s3  }
0x9d: {  	[timem:s7], [sflag:s22] =	dma.local [hbm:s5], s20  }
0x9e: {  	_ =	swait.ge [sflag:s22], s20  }
0x9f: {  	s4 =	ssub.s32 $0x0, s20;
	[sflag:s22] =	ssyncset.done $0x0  }
0xa0: {  	[sflag:s22] =	ssyncadd.s32 s4;
	_ =	sdelay $0x1  }
0xa1: {  	s23 =	simm.s32 $0x1B8B  }
0xa2: {  	_ =	swait.ge [sflag:s23], $0x1  }
0xa3: {  	[sflag:s23] =	ssyncset.done $0x0  }
0xa4: {  	s25 =	simm.s32 $0x1B8E;
	s24 =	sld [smem:$0x3FFE];
	[sflag:s23] =	ssyncadd.s32 $0xFFFFFFFF  }
0xa5: {  	s26 =	simm.s32 $execute0_lowered;
	[smem:$0x3FD2] =	sst s25  }
0xa6: {  	s5 =	sshll.u32 s26, $0x1;
	_ =	strace $0x80000046;
	[dreg:$0x1] =	wrdreg $0xFFFFFFFF  }
0xa7: {  	s28 =	simm.s32 $_size_execute0_lowered;
	s3 =	sadd.s32 s3, s5;
	[dreg:$0x0] =	wrdreg $0x0  }
0xa8: {  	s5 =	sshll.u32 s28, $0x1;
	[dreg:$0x2] =	wrdreg s3  }
0xa9: {  	[dreg:$0x3] =	wrdreg s5  }
0xaa: {  	[dreg:$0x4] =	wrdreg $0xC0  }
0xab: {  	_ =	task [dreg:s7], $0x5FFFF  }
0xac: {  	[dreg:$0x1] =	wrdreg $0xFFFFFFFF  }
0xad: {  	[dreg:$0x0] =	wrdreg $0x60  }
0xae: {  	[dreg:$0x2] =	wrdreg s24  }
0xaf: {  	[dreg:$0x3] =	wrdreg s2  }
0xb0: {  	[dreg:$0x4] =	wrdreg $0x7ED00  }
0xb1: {  	[dreg:$0x5] =	wrdreg $0x7EF00  }
0xb2: {  	[dreg:$0x6] =	wrdreg $0x9  }
0xb3: {  	_ =	task.clear_ibuf [dreg:s7], $0x7FFFF;
	_ =	strace $0x90000046  }
0xb4: {  	s29 =	simm.s32 $0x9;
	_ =	strace $0x80000048  }
0xb5: {  	_ =	swait.ge [sflag:s29], $0x1  }
0xb6: {  	[sflag:s29] =	ssyncadd.s32 $0xFFFFFFFF  }
0xb7: {  	_ =	strace $0x90000048  }
0xb8: {  	_ =	sfence  }
0xb9: {  	s30 =	sld [smem:$0x0];
	_ =	sdelay $0x2  }
0xba: {  	s31 =	sshll.u32 s1, $0xD;
	s1 =	sshrl.u32 s1, $0x2  }
0xbb: {  	s3 =	sand.u32 $0x4000, s31;
	s1 =	sadd.s32 s1, s30  }
0xbc: {  	s0 =	sor.u32 s3, s0;
	s1 =	sshll.u32 s1, $0x11  }
0xbd: {  	s0 =	sor.u32 s1, s0  }
0xbe: {  	s0 =	sadd.s32 $0x8F2B, s0  }
0xbf: {  	[sflag:s0] =	ssyncadd.remote.s32 $0x1  }
0xc0: {  	_ =	sfence.sel $0xFFFF  }
0xc1: {  	[dreg:$0x0] =	wrdreg $0xFFFFFFFF;
	(pc) =	sbr.abs _section_cstart, $3  }
0xc2: {  	[dreg:$0x1] =	wrdreg $0xFFFFFFFF  }
0xc3: {  	_ =	task.clear_ibuf [dreg:s7], $0x2FFFF;
	_ =	strace $0x9FFFFFFF  }
0xc4: {  	(tm) =	ssettm $0x7FFFFFFF  }
0xc5: {  	_ =	shalt  }
tec
execute0_lowered:
.L_overlay_start_1:
0x0: {  	(tag) =	ssettag $0x1  }
0x1: {  	s4 =	rddreg [dreg:$0x0]  }
0x2: {  	s0 =	srdreg.scid;
	s10 =	rddreg [dreg:$0x1]  }
0x3: {  	s17 =	stileid.u32;
	s13 =	rddreg [dreg:$0x2]  }
0x4: {  	s14 =	rddreg [dreg:$0x3];
	s5 =	simm.s32 $0x1;
	s2 =	simm.s32 $0x0  }
0x5: {  	s28 =	simm.s32 $0x4;
	s29 =	simm.s32 $0x5;
	s30 =	simm.s32 $0x6  }
0x6: {  	s31 =	simm.s32 $0x7E00;
	s1 =	sand.u32 $0x1, s0;
	[smem:$0x7FF] =	sst s2  }
0x7: {  	s11 =	sadd.s32 $0x600, s4;
	s22 =	sshll.u32 s17, $0x5;
	s0 =	sshll.u32 s1, $0x4  }
0x8: {  	_ =	strace $0x80000047;
	s1 =	ssub.s32 $0x2, s1;
	s23 =	sand.u32 $0x180, s22  }
0x9: {  	s3 =	sor.u32 s17, s0;
	s0 =	sand.u32 $0x3, s17;
	s12 =	sshrl.u32 s1, $0x1  }
0xa: {  	s25 =	sadd.s32 s23, s14;
	p1 =	seq.s32 s3, $0x0;
	p0 =	sne.s32 s0, $0x0  }
0xb: {  	s3 =	sshrl.u32 s3, $0x2;
	s7 =	smul.u32 $0xFC0, s0;
	p1 =	por !p0, !p1  }
0xc: {  	s1 =	ssub.s32 s1, s12;
	[dreg:$0x7] =	wrdreg s25;
	p1 =	por !p1, !p1  }
0xd: {  	s25 =	simm.s32 $0x2;
	s17 =	smax.u32 s1, $0x1;
	s5 =	simm.s32 @!p1 $0x0  }
0xe: {  	s1 =	simm.s32 $0x7E40;
	p1 =	seq.s32 s0, $0x1;
	s9 =	ssub.s32 s3, s5  }
0xf: {  	s0 =	simm.s32 $0x7E90;
	s5 =	smul.u32 $0x17A00, s9;
	s6 =	sshll.u32 s9, $0x2  }
0x10: {  	s3 =	simm.s32 $0x1;
	s20 =	sshll.u32 s9, $0x1;
	s6 =	sand.u32 $0x1FFFFFFC, s6  }
0x11: {  	s21 =	sand.u32 $0x1FFFFFFE, s20;
	s15 =	sadd.s32 s6, s4;
	s8 =	sadd.s32 s7, s5  }
0x12: {  	s10 =	sadd.s32 s10, s21;
	s16 =	sshrl.u32 s8, $0x3;
	s5 =	sadd.s32 $0x3F00, s8  }
0x13: {  	s18 =	sadd.s32 $0x7E00, s8;
	s7 =	sadd.s32 $0xBD00, s8;
	s12 =	sadd.s32 $0xFC00, s8  }
0x14: {  	s24 =	sadd.s32 $0x18002, s15;
	s26 =	sadd.s32 $0x18000, s15;
	s15 =	simm.s32 $0x0  }
0x15: {  	s4 =	sadd.s32 s11, s16;
	s5 =	sshrl.u32 s5, $0x3;
	s6 =	sshrl.u32 s18, $0x3  }
0x16: {  	s7 =	sshrl.u32 s7, $0x3;
	s12 =	sshrl.u32 s12, $0x3;
	[dreg:$0x6] =	wrdreg s24  }
0x17: {  	v0 =	vimm.f32 $-3.000000010e+38;
	v1 =	vlaneseq.u32;
	s16 =	sadd.s32 $0x13B00, s8;
	[dreg:$0x8] =	wrdreg s26;
	s24 =	simm.s32 $0x7  }
.Ltmp0:
0x18: {  	vm0 =	vcmask $0x320;
	vm1 =	vcmask $0x720;
	vm2 =	vcmask $0xB20;
	s26 =	simm.s32 $0x3;
	s5 =	sadd.s32 s11, s5;
	(pc) =	sbr.rel .LBB2_1-.Ltmp0, $4  }
0x19: {  	vm3 =	vcmask $0xF20;
	vm4 =	vcmask $0x1320;
	vm5 =	vcmask $0x1720;
	s6 =	sadd.s32 s11, s6;
	s7 =	sadd.s32 s11, s7;
	s19 =	sshrl.u32 s16, $0x3  }
0x1a: {  	vm6 =	vcmask $0x1B20;
	v2 =	vor.u32 $0x80000030, v1;
	v3 =	vor.u32 $0x80000020, v1;
	s8 =	sadd.s32 s11, s12;
	s12 =	sadd.s32 s22, s14;
	s9 =	sadd.s32 s11, s19  }
0x1b: {  	vm7 =	vcmask $0x300;
	v4 =	vor.u32 $0x80000010, v1;
	v5 =	vor.u32 $0x80000000, v1;
	s11 =	sadd.s32 s22, s13;
	s13 =	sadd.s32 s23, s13;
	s22 =	simm.s32 $0x4EC0  }
0x1c: {  	v6 =	vor.u32 $0x10, v1;
	v7 =	vor.u32 $0x20, v1;
	v8 =	vor.u32 $0x30, v1;
	s23 =	simm.s32 $0x7E80;
	[dreg:$0x5] =	wrdreg s13;
	s13 =	simm.s32 $0x7EB0  }
.LBB2_15:
0x1d: {  	v9 =	vmov s14  }
0x1e: {  	v9 =	vnsel vm7, $0x0, v9  }
0x1f: {  	s21 =	simm.s32 $0x8010;
	[tilespmem:$0x8010] =	vst v9  }
0x20: {  	[hbm4b:s16+s2] =	stream.linear.scatter [tilespmem:s21], [sflag:$0x7], $0x10, $0x38;
	[tilespmem:$0x8020] =	vst v63  }
0x21: {  	_ =	swait.ge [sflag:s24], $0x10  }
0x22: {  	[sflag:s24] =	ssyncset.done $0x0  }
0x23: {  	[sflag:s24] =	ssyncadd.s32 $0xFFFFFFF0  }
.LBB2_16:
0x24: {  	s15 =	sadd.s32 $0x1, s15  }
0x25: {  	p2 =	sne.s32 s15, s17  }
.Ltmp1:
0x26: {  	_ = 	snop;
	(pc) =	sbr.rel @!p2 .LBB2_17-.Ltmp1, $1  }
0x27: {  	_ =	sdelay $0x3  }
.LBB2_1:
0x28: {  	[tilespmem:s2], [sflag:$0x1] =	stream.linear.gather [hbm4b:s4+s2], $0xFC0, $0x38;
	[tilespmem:$0x8020] =	vst v63  }
0x29: {  	s14 =	simm.s32 $0xFC0  }
0x2a: {  	[tilespmem:s14], [sflag:$0x2] =	stream.linear.gather [hbm4b:s5+s2], $0xFC0, $0x38;
	[tilespmem:$0x8020] =	vst v63  }
0x2b: {  	s19 =	simm.s32 $0x1F80  }
0x2c: {  	[tilespmem:s19], [sflag:$0x3] =	stream.linear.gather [hbm4b:s6+s2], $0xFC0, $0x38;
	[tilespmem:$0x8020] =	vst v63  }
0x2d: {  	s20 =	simm.s32 $0x2F40  }
0x2e: {  	[tilespmem:s20], [sflag:$0x4] =	stream.linear.gather [hbm4b:s7+s2], $0xFC0, $0x38;
	[tilespmem:$0x8020] =	vst v63  }
0x2f: {  	s21 =	simm.s32 $0x3F00  }
0x30: {  	[tilespmem:s21], [sflag:$0x5] =	stream.linear.gather [hbm4b:s8+s2], $0xFC0, $0x38;
	[tilespmem:$0x8020] =	vst v63  }
0x31: {  	_ = 	snop  }
0x32: {  	[tilespmem:s22], [sflag:$0x6] =	stream.linear.gather [hbm4b:s9+s2], $0xFC0, $0x38;
	[tilespmem:$0x8020] =	vst v63  }
0x33: {  	_ = 	snop  }
0x34: {  	[tilespmem:s23], [sflag:$0x7] =	stream.linear.gather [hbm4b:s10+s2], $0x10, $0x38;
	[tilespmem:$0x8020] =	vst v63  }
0x35: {  	_ =	swait.ge [sflag:s24], $0x10  }
0x36: {  	[sflag:s24] =	ssyncset.done $0x0  }
0x37: {  	[sflag:s24] =	ssyncadd.s32 $0xFFFFFFF0  }
0x38: {  	[tilespmem:$0x7E00] =	vst v0  }
0x39: {  	[tilespmem:$0x7E40] =	vst v0  }
0x3a: {  	[tilespmem:$0x7E10] =	vst v0  }
0x3b: {  	[tilespmem:$0x7E50] =	vst v0  }
0x3c: {  	[tilespmem:$0x7E20] =	vst v0  }
0x3d: {  	[tilespmem:$0x7E60] =	vst v0  }
0x3e: {  	[tilespmem:$0x7E30] =	vst v0  }
0x3f: {  	[tilespmem:$0x7E70] =	vst v0  }
0x40: {  	[tilespmem:$0x7E90] =	vst v0  }
0x41: {  	[tilespmem:$0x7EB0] =	vst v0  }
0x42: {  	[tilespmem:$0x7EA0] =	vst v0  }
0x43: {  	[tilespmem:$0x7EC0] =	vst v0  }
0x44: {  	v13 =	vld [tilespmem:$0x7E80];
	_ =	swait.ge [sflag:s3], $0xFC0  }
0x45: {  	[sflag:s3] =	ssyncset.done $0x0  }
0x46: {  	[sflag:s3] =	ssyncadd.s32 $0xFFFFF040  }
0x47: {  	_ =	swait.ge [sflag:s25], $0xFC0  }
0x48: {  	[sflag:s25] =	ssyncset.done $0x0  }
0x49: {  	[sflag:s25] =	ssyncadd.s32 $0xFFFFF040  }
0x4a: {  	_ =	swait.ge [sflag:s26], $0xFC0  }
0x4b: {  	[sflag:s26] =	ssyncset.done $0x0  }
0x4c: {  	[sflag:s26] =	ssyncadd.s32 $0xFFFFF040  }
0x4d: {  	_ =	swait.ge [sflag:s28], $0xFC0  }
0x4e: {  	[sflag:s28] =	ssyncset.done $0x0  }
0x4f: {  	[sflag:s28] =	ssyncadd.s32 $0xFFFFF040  }
0x50: {  	_ =	swait.ge [sflag:s29], $0xFC0  }
0x51: {  	[sflag:s29] =	ssyncset.done $0x0  }
0x52: {  	[sflag:s29] =	ssyncadd.s32 $0xFFFFF040  }
0x53: {  	_ =	swait.ge [sflag:s30], $0xFC0  }
0x54: {  	[sflag:s30] =	ssyncset.done $0x0  }
0x55: {  	s14 =	simm.s32 $0x0;
	[sflag:s30] =	ssyncadd.s32 $0xFFFFF040  }
0x56: {  	v14 =	vld [tilespmem:s14+$0x10]  }
0x57: {  	v15 =	vld [tilespmem:s14+$0xFD0]  }
0x58: {  	v12 =	vld [tilespmem:s14+$0x2F50]  }
0x59: {  	v16 =	vld [tilespmem:s14+$0x1F90]  }
0x5a: {  	v17 =	vld [tilespmem:s14+$0x1F80]  }
0x5b: {  	v18 =	vld [tilespmem:s14+$0x2F40]  }
0x5c: {  	v19 =	vld [tilespmem:s14+$0x0]  }
0x5d: {  	v25 =	vld [tilespmem:s14+$0x1FA0]  }
0x5e: {  	v9 =	vbroadcast v13, $0x0;
	v20 =	vld [tilespmem:s14+$0xFC0];
	v21 =	vmul.f32 $5.000000000e-01, v12  }
0x5f: {  	v10 =	vbroadcast v13, $0x1;
	v46 =	vld [tilespmem:s14+$0x20];
	v16 =	vmul.f32 $5.000000000e-01, v16  }
0x60: {  	v17 =	vmul.f32 $5.000000000e-01, v17;
	v22 =	vsub.f32 v15, v21;
	v15 =	vadd.f32 v21, v15  }
0x61: {  	v18 =	vmul.f32 $5.000000000e-01, v18;
	v42 =	vsub.f32 v14, v16;
	v14 =	vadd.f32 v16, v14  }
0x62: {  	v25 =	vmul.f32 $5.000000000e-01, v25;
	v23 =	vsub.f32 v19, v17;
	v17 =	vadd.f32 v17, v19  }
0x63: {  	v11 =	vbroadcast v13, $0x2;
	v24 =	vsub.f32 v20, v18;
	v18 =	vadd.f32 v18, v20  }
0x64: {  	v12 =	vbroadcast v13, $0x3;
	v51 =	vsub.f32 v46, v25;
	v25 =	vadd.f32 v25, v46  }
0x65: {  	v19 =	vmax.f32 v10, v22;
	v26 =	vmax.f32 v9, v23;
	v27 =	vmin.f32 v11, v17  }
0x66: {  	v17 =	vsub.f32 v17, v23;
	v43 =	vmax.f32 v10, v24;
	v28 =	vmin.f32 v12, v18  }
0x67: {  	v18 =	vsub.f32 v18, v24;
	v45 =	vmax.f32 v9, v42;
	v47 =	vmin.f32 v11, v14  }
0x68: {  	v48 =	vld [tilespmem:s14+$0x1FB0];
	v14 =	vsub.f32 v14, v42;
	v22 =	vsub.f32 v15, v22;
	v15 =	vmin.f32 v12, v15  }
0x69: {  	v16 =	vld [tilespmem:s14+$0x2F60];
	v54 =	vmin.f32 v11, v25;
	v25 =	vsub.f32 v25, v51;
	v44 =	vsub.f32 v27, v26  }
0x6a: {  	v50 =	vld [tilespmem:s14+$0x2F70];
	v52 =	vmax.f32 v9, v51;
	v23 =	vsub.f32 v28, v43;
	v26 =	vsub.f32 v47, v45  }
0x6b: {  	v15 =	vsub.f32 v15, v19;
	v57 =	vsub.f32 v54, v52  }
0x6c: {  	v13 =	vbroadcast v13, $0x4;
	v20 =	vld [tilespmem:s14+$0xFE0];
	v17 =	vadd.f32 $1.000000000e+00, v17;
	v18 =	vadd.f32 $1.000000000e+00, v18  }
0x6d: {  	v53 =	vld [tilespmem:s14+$0xFF0];
	v21 =	vmul.f32 $5.000000000e-01, v48;
	v14 =	vadd.f32 $1.000000000e+00, v14;
	v22 =	vadd.f32 $1.000000000e+00, v22  }
0x6e: {  	v19 =	vld [tilespmem:s14+$0x30];
	v25 =	vadd.f32 $1.000000000e+00, v25;
	v16 =	vmul.f32 $5.000000000e-01, v16;
	v24 =	vadd.f32 $1.000000000e+00, v44  }
0x6f: {  	v49 =	vadd.f32 $1.000000000e+00, v26;
	v15 =	vadd.f32 $1.000000000e+00, v15;
	v26 =	vmul.f32 $5.000000000e-01, v50  }
0x70: {  	v17 =	vmul.f32 v18, v17;
	v18 =	vadd.f32 $1.000000000e+00, v23;
	v14 =	vmul.f32 v22, v14  }
0x71: {  	v29 =	vadd.f32 v16, v20;
	v16 =	vsub.f32 v20, v16;
	v23 =	vmax.f32 v49, $0.0e+00  }
0x72: {  	v58 =	vadd.f32 v26, v53;
	v61 =	vmax.f32 v15, $0.0e+00;
	v55 =	vadd.f32 v14, v13  }
0x73: {  	v56 =	vadd.f32 v21, v19;
	v14 =	vmax.f32 v24, $0.0e+00;
	v19 =	vsub.f32 v19, v21  }
0x74: {  	v18 =	vmax.f32 v18, $0.0e+00;
	v17 =	vadd.f32 v17, v13;
	v21 =	vadd.f32 $1.000000000e+00, v57  }
0x75: {  	v20 =	vmin.f32 v12, v29;
	v30 =	vmax.f32 v10, v16;
	v16 =	vsub.f32 v29, v16  }
0x76: {  	v14 =	vmul.f32 v18, v14;
	v18 =	vsub.f32 v53, v26;
	v22 =	vmin.f32 v12, v58  }
0x77: {  	v20 =	vsub.f32 v20, v30;
	v59 =	vmax.f32 v9, v19;
	v19 =	vsub.f32 v56, v19  }
0x78: {  	v16 =	vadd.f32 $1.000000000e+00, v16;
	v60 =	vsub.f32 v17, v14;
	v17 =	vmin.f32 v11, v56  }
0x79: {  	v27 =	vmax.f32 v10, v18;
	v18 =	vsub.f32 v58, v18;
	v20 =	vadd.f32 $1.000000000e+00, v20  }
0x7a: {  	v15 =	vmax.f32 v21, $0.0e+00;
	v17 =	vsub.f32 v17, v59;
	v22 =	vsub.f32 v22, v27  }
0x7b: {  	v19 =	vadd.f32 $1.000000000e+00, v19;
	v16 =	vmul.f32 v16, v25;
	v18 =	vadd.f32 $1.000000000e+00, v18  }
0x7c: {  	v20 =	vmax.f32 v20, $0.0e+00;
	v17 =	vadd.f32 $1.000000000e+00, v17;
	v62 =	vadd.f32 $1.000000000e+00, v22  }
0x7d: {  	v16 =	vadd.f32 v16, v13;
	v15 =	vmul.f32 v20, v15;
	v18 =	vmul.f32 v18, v19  }
0x7e: {  	v19 =	vmax.f32 v17, $0.0e+00;
	v17 =	vmul.f32 v61, v23;
	v20 =	vmax.f32 v62, $0.0e+00  }
0x7f: {  	v63 =	vsub.f32 v16, v15;
	v16 =	vmul.f32 v20, v19;
	v19 =	vadd.f32 $1.000000020e-16, v60  }
0x80: {  	v18 =	vadd.f32 v18, v13  }
0x81: {  	v20 =	vsub.f32 v55, v17;
	(erf) = vrcp.f32 v19  }
0x82: {  	v21 =	vadd.f32 $1.000000020e-16, v63;
	v18 =	vsub.f32 v18, v16;
	_ =	sdelay $0x1  }
0x83: {  	s18 =	simm.s32 $0x0;
	s19 =	simm.s32 $0x100;
	s20 =	simm.s32 $0x0;
	v19 =	vadd.f32 $1.000000020e-16, v20;
	(erf) = vrcp.f32 v21;
	v18 =	vadd.f32 $1.000000020e-16, v18  }
.LBB2_2:
0x84: {  	p2 =	sne.s32 s19, $0x3E00  }
0x85: {  	v20 =	vld [tilespmem:s14+$0x4EF0];
	s20 =	sadd.s32 $0x1, s20;
	(erf) = vrcp.f32 v19;
	s16 =	smov.u32 s19;
	s19 =	sadd.s32 $0x100, s19  }
0x86: {  	v19 =	vld [tilespmem:s14+$0x4EE0];
	(erf) = vrcp.f32 v18  }
0x87: {  	v18 =	vld [tilespmem:s14+$0x4ED0]  }
0x88: {  	v21 =	vld [tilespmem:s14+$0x4EC0]  }
0x89: {  	v22 =	vld [tilespmem:s14+$0x3F00];
	v23 =	vpop (erf)  }
0x8a: {  	v14 =	vmul.f32 v23, v14;
	v23 =	vld [tilespmem:s14+$0x3F10]  }
0x8b: {  	v24 =	vld [tilespmem:s14+$0x3F20]  }
0x8c: {  	v25 =	vmax.f32 v14, $-3.000000010e+38;
	v26 =	vld [tilespmem:s14+$0x3F30];
	v27 =	vpop (erf)  }
0x8d: {  	v15 =	vmul.f32 v27, v15  }
0x8e: {  	v21 =	vadd.f32 v21, v22;
	v22 =	vpop (erf)  }
0x8f: {  	v17 =	vmul.f32 v22, v17;
	v18 =	vadd.f32 v18, v23;
	v22 =	vpop (erf)  }
0x90: {  	v23 =	vmax.f32 v21, $-3.000000010e+38;
	v19 =	vadd.f32 v19, v24;
	v16 =	vmul.f32 v22, v16  }
0x91: {  	v22 =	vmax.f32 v25, v17;
	v23 =	vmax.f32 v23, v18;
	v20 =	vadd.f32 v20, v26  }
0x92: {  	v22 =	vmax.f32 v22, v15;
	v23 =	vmax.f32 v23, v19  }
0x93: {  	v22 =	vmax.f32 v22, v16;
	v23 =	vmax.f32 v23, v20  }
0x94: {  	(xrf0) =	vmax.scan.msk.f32 $0xffff, v22  }
0x95: {  	[tilespmem:s14+$0x6E50] =	vst v18;
	(xrf0) =	vmax.scan.msk.f32 $0xffff, v23  }
0x96: {  	[tilespmem:s14+$0x6E70] =	vst v20  }
0x97: {  	[tilespmem:s14+$0x6E60] =	vst v19  }
0x98: {  	[tilespmem:s14+$0x5EA0] =	vst v15;
	v15 =	vmov s18;
	s18 =	smov.u32 s20  }
0x99: {  	[tilespmem:s14+$0x5E80] =	vst v14  }
0x9a: {  	[tilespmem:s14+$0x5E90] =	vst v17;
	v14, _, _ =	vpop (xrf0)  }
0x9b: {  	[tilespmem:s14+$0x5EB0] =	vst v16;
	v14 =	vbroadcast v14, $0xF;
	v16, _, _ =	vpop (xrf0)  }
0x9c: {  	[tilespmem:s14+$0x6E40] =	vst v21;
	s14 =	sshra.s32 s16, $0x2;
	v16 =	vbroadcast v16, $0xF  }
0x9d: {  	[tilespmem:v15+s31+$0x0] =	vst.idx.msk $0x1, v14  }
0x9e: {  	[tilespmem:v15+s1+$0x0] =	vst.idx.msk $0x1, v16  }
0x9f: {  	v14 =	vld [tilespmem:s14+$0x10]  }
0xa0: {  	v15 =	vld [tilespmem:s14+$0xFD0]  }
0xa1: {  	v16 =	vld [tilespmem:s14+$0x2F50]  }
0xa2: {  	v17 =	vld [tilespmem:s14+$0x1F90]  }
0xa3: {  	v18 =	vld [tilespmem:s14+$0x1F80]  }
0xa4: {  	v19 =	vld [tilespmem:s14+$0x2F40]  }
0xa5: {  	v20 =	vld [tilespmem:s14+$0x0]  }
0xa6: {  	v21 =	vld [tilespmem:s14+$0xFC0];
	v16 =	vmul.f32 $5.000000000e-01, v16  }
0xa7: {  	v17 =	vmul.f32 $5.000000000e-01, v17  }
0xa8: {  	v18 =	vmul.f32 $5.000000000e-01, v18;
	v22 =	vsub.f32 v15, v16;
	v15 =	vadd.f32 v16, v15  }
0xa9: {  	v16 =	vmul.f32 $5.000000000e-01, v19;
	v19 =	vsub.f32 v14, v17;
	v14 =	vadd.f32 v17, v14;
	v17 =	vld [tilespmem:s14+$0x2F60]  }
0xaa: {  	v23 =	vsub.f32 v20, v18;
	v18 =	vadd.f32 v18, v20;
	v20 =	vmax.f32 v10, v22;
	v24 =	vld [tilespmem:s14+$0x1FA0]  }
0xab: {  	v25 =	vsub.f32 v21, v16;
	v16 =	vadd.f32 v16, v21;
	v21 =	vmax.f32 v9, v19;
	v26 =	vld [tilespmem:s14+$0xFE0]  }
0xac: {  	v27 =	vmax.f32 v9, v23;
	v28 =	vmin.f32 v11, v18;
	v18 =	vsub.f32 v18, v23  }
0xad: {  	v23 =	vmax.f32 v10, v25;
	v29 =	vmin.f32 v12, v16;
	v16 =	vsub.f32 v16, v25  }
0xae: {  	v25 =	vsub.f32 v28, v27;
	v23 =	vsub.f32 v29, v23;
	v17 =	vmul.f32 $5.000000000e-01, v17  }
0xaf: {  	v18 =	vadd.f32 $1.000000000e+00, v18;
	v16 =	vadd.f32 $1.000000000e+00, v16;
	v27 =	vld [tilespmem:s14+$0x20];
	v24 =	vmul.f32 $5.000000000e-01, v24  }
0xb0: {  	v28 =	vmin.f32 v11, v14;
	v25 =	vadd.f32 $1.000000000e+00, v25;
	v29 =	vadd.f32 v17, v26  }
0xb1: {  	v14 =	vsub.f32 v14, v19;
	v16 =	vmul.f32 v16, v18;
	v18 =	vsub.f32 v28, v21;
	v19 =	vld [tilespmem:s14+$0x1FB0]  }
0xb2: {  	v21 =	vadd.f32 $1.000000000e+00, v23;
	v23 =	vmin.f32 v12, v15;
	v15 =	vsub.f32 v15, v22  }
0xb3: {  	v17 =	vsub.f32 v26, v17;
	v18 =	vadd.f32 $1.000000000e+00, v18  }
0xb4: {  	v14 =	vadd.f32 $1.000000000e+00, v14;
	v26 =	vmin.f32 v12, v29;
	v22 =	vadd.f32 v24, v27;
	v28 =	vld [tilespmem:s14+$0x2F70]  }
0xb5: {  	v15 =	vadd.f32 $1.000000000e+00, v15;
	v24 =	vsub.f32 v27, v24;
	v27 =	vmax.f32 v10, v17;
	v30 =	vld [tilespmem:s14+$0x30]  }
0xb6: {  	v20 =	vsub.f32 v23, v20;
	v23 =	vsub.f32 v26, v27;
	v19 =	vmul.f32 $5.000000000e-01, v19  }
0xb7: {  	v14 =	vmul.f32 v15, v14;
	v15 =	vmax.f32 v9, v24;
	v26 =	vmin.f32 v11, v22;
	v27 =	vld [tilespmem:s14+$0xFF0]  }
0xb8: {  	v20 =	vadd.f32 $1.000000000e+00, v20;
	v18 =	vmax.f32 v18, $0.0e+00;
	v23 =	vadd.f32 $1.000000000e+00, v23  }
0xb9: {  	v25 =	vmax.f32 v25, $0.0e+00;
	v31 =	vadd.f32 v14, v13;
	v14 =	vsub.f32 v22, v24  }
0xba: {  	v17 =	vsub.f32 v29, v17;
	v24 =	vmul.f32 $5.000000000e-01, v28;
	v22 =	vadd.f32 v19, v30  }
0xbb: {  	v21 =	vmax.f32 v21, $0.0e+00;
	v28 =	vadd.f32 $1.000000000e+00, v14;
	v19 =	vsub.f32 v30, v19  }
0xbc: {  	v15 =	vsub.f32 v26, v15;
	v14 =	vmul.f32 v21, v25;
	v21 =	vadd.f32 v24, v27  }
0xbd: {  	v16 =	vadd.f32 v16, v13;
	v17 =	vadd.f32 $1.000000000e+00, v17;
	v25 =	vmax.f32 v9, v19  }
0xbe: {  	v23 =	vmax.f32 v23, $0.0e+00;
	v24 =	vsub.f32 v27, v24;
	v19 =	vsub.f32 v22, v19  }
0xbf: {  	v16 =	vsub.f32 v16, v14;
	v17 =	vmul.f32 v17, v28;
	v22 =	vmin.f32 v11, v22  }
0xc0: {  	v22 =	vsub.f32 v22, v25;
	v26 =	vmax.f32 v10, v24;
	v24 =	vsub.f32 v21, v24  }
0xc1: {  	v15 =	vadd.f32 $1.000000000e+00, v15;
	v21 =	vmin.f32 v12, v21;
	v19 =	vadd.f32 $1.000000000e+00, v19  }
0xc2: {  	v20 =	vmax.f32 v20, $0.0e+00;
	v22 =	vadd.f32 $1.000000000e+00, v22;
	v21 =	vsub.f32 v21, v26  }
0xc3: {  	v15 =	vmax.f32 v15, $0.0e+00;
	v25 =	vadd.f32 v17, v13;
	v24 =	vadd.f32 $1.000000000e+00, v24  }
0xc4: {  	v15 =	vmul.f32 v23, v15;
	v22 =	vmax.f32 v22, $0.0e+00;
	v21 =	vadd.f32 $1.000000000e+00, v21  }
0xc5: {  	v23 =	vadd.f32 $1.000000020e-16, v16;
	v17 =	vmul.f32 v20, v18;
	v18 =	vmul.f32 v24, v19  }
0xc6: {  	v19 =	vsub.f32 v25, v15;
	v16 =	vmax.f32 v21, $0.0e+00  }
.Ltmp2:
0xc7: {  	v16 =	vmul.f32 v16, v22;
	v18 =	vadd.f32 v18, v13;
	(erf) = vrcp.f32 v23;
	(pc) =	sbr.rel @p2 .LBB2_2-.Ltmp2, $4  }
0xc8: {  	v20 =	vsub.f32 v31, v17;
	v21 =	vadd.f32 $1.000000020e-16, v19  }
0xc9: {  	v18 =	vsub.f32 v18, v16  }
0xca: {  	v19 =	vadd.f32 $1.000000020e-16, v20;
	(erf) = vrcp.f32 v21  }
0xcb: {  	s16 =	simm.s32 $0x0;
	v18 =	vadd.f32 $1.000000020e-16, v18  }
0xcc: {  	(erf) = vrcp.f32 v19  }
0xcd: {  	v10 =	vld [tilespmem:s14+$0x4EE0]  }
0xce: {  	v11 =	vld [tilespmem:s14+$0x4EC0];
	(erf) = vrcp.f32 v18  }
0xcf: {  	v12 =	vld [tilespmem:s14+$0x3F00]  }
0xd0: {  	v13 =	vld [tilespmem:s14+$0x4ED0]  }
0xd1: {  	v45 =	vld [tilespmem:s14+$0x3F10]  }
0xd2: {  	v20 =	vld [tilespmem:s14+$0x3F20]  }
0xd3: {  	v9 =	vld [tilespmem:s14+$0x4EF0];
	v46 =	vpop (erf)  }
0xd4: {  	v47 =	vld [tilespmem:s14+$0x3F30];
	v21 =	vpop (erf)  }
0xd5: {  	v14 =	vmul.f32 v46, v14;
	v48 =	vpop (erf)  }
0xd6: {  	v11 =	vadd.f32 v11, v12;
	v13 =	vadd.f32 v13, v45;
	v12 =	vmul.f32 v48, v17  }
0xd7: {  	v10 =	vadd.f32 v10, v20;
	v22 =	vmax.f32 v14, $-3.000000010e+38;
	v15 =	vmul.f32 v21, v15;
	v49 =	vpop (erf)  }
0xd8: {  	v50 =	vmax.f32 v11, $-3.000000010e+38;
	v16 =	vmul.f32 v49, v16;
	v51 =	vmax.f32 v22, v12  }
0xd9: {  	v9 =	vadd.f32 v9, v47;
	v18 =	vmax.f32 v50, v13;
	v17 =	vmax.f32 v51, v15  }
0xda: {  	v18 =	vmax.f32 v18, v10;
	v17 =	vmax.f32 v17, v16  }
0xdb: {  	v18 =	vmax.f32 v18, v9;
	(xrf0) =	vmax.scan.msk.f32 $0xffff, v17  }
0xdc: {  	[tilespmem:s14+$0x6E50] =	vst v13;
	(xrf0) =	vmax.scan.msk.f32 $0xffff, v18  }
0xdd: {  	[tilespmem:s14+$0x6E70] =	vst v9  }
0xde: {  	[tilespmem:s14+$0x6E60] =	vst v10  }
0xdf: {  	[tilespmem:s14+$0x5E80] =	vst v14;
	v9 =	vmov s18  }
0xe0: {  	[tilespmem:s14+$0x6E40] =	vst v11  }
0xe1: {  	[tilespmem:s14+$0x5EA0] =	vst v15;
	v10, _, _ =	vpop (xrf0)  }
0xe2: {  	[tilespmem:s14+$0x5E90] =	vst v12;
	v10 =	vbroadcast v10, $0xF;
	v52, _, _ =	vpop (xrf0)  }
0xe3: {  	[tilespmem:s14+$0x5EB0] =	vst v16;
	v11 =	vbroadcast v52, $0xF  }
0xe4: {  	[tilespmem:v9+s31+$0x0] =	vst.idx.msk $0x1, v10  }
0xe5: {  	[tilespmem:v9+s1+$0x0] =	vst.idx.msk $0x1, v11  }
0xe6: {  	v10 =	vld [tilespmem:$0x7E20]  }
0xe7: {  	v11 =	vld [tilespmem:$0x7E00]  }
0xe8: {  	v53 =	vld [tilespmem:$0x7E30]  }
0xe9: {  	v13 =	vld [tilespmem:$0x7E10];
	_ =	sdelay $0x4  }
0xea: {  	v9 =	vmax.f32 v10, v53;
	v54 =	vmax.f32 v11, v13  }
0xeb: {  	v9 =	vmax.f32 v54, v9  }
0xec: {  	(xrf0) =	vmax.scan.msk.f32 $0xffff, v9;
	_ =	sdelay $0x5  }
0xed: {  	v9, _, _ =	vpop (xrf0)  }
0xee: {  	v9 =	vbroadcast v9, $0xF;
	_ =	sdelay $0x1  }
0xef: {  	vm8 =	veq.f32 v53, v9  }
0xf0: {  	vm9 =	veq.f32 v10, v9;
	v10 =	vnsel vm8, $0x80000040, v2  }
0xf1: {  	vm8 =	veq.f32 v13, v9;
	v10 =	vsel vm9, v3, v10  }
0xf2: {  	vm12 =	veq.f32 v11, v9;
	v10 =	vsel vm8, v4, v10  }
0xf3: {  	v10 =	vsel vm12, v5, v10  }
0xf4: {  	(xrf0) =	vmin.scan.msk.u32 $0xffff, v10;
	_ =	sdelay $0x5  }
0xf5: {  	v10, _, _ =	vpop (xrf0)  }
0xf6: {  	(v2sf) =	vpush v10, $0xF;
	_ =	sdelay $0xe  }
0xf7: {  	s21 =	spop (v2sf)  }
0xf8: {  	s19 =	sshll.u32 s21, $0x8  }
0xf9: {  	s18 =	sshra.s32 s19, $0x2  }
0xfa: {  	v10 =	vld [tilespmem:s18+$0x5EB0]  }
0xfb: {  	v11 =	vld [tilespmem:s18+$0x5EA0]  }
0xfc: {  	v55 =	vld [tilespmem:s18+$0x5E90]  }
0xfd: {  	v56 =	vld [tilespmem:s18+$0x5E80];
	_ =	sdelay $0x1  }
0xfe: {  	vm8 =	veq.f32 v10, v9  }
0xff: {  	vm13 =	veq.f32 v11, v9;
	v57 =	vnsel vm8, $0x80000040, v2  }
0x100: {  	vm8 =	veq.f32 v55, v9;
	v14 =	vsel vm13, v3, v57  }
0x101: {  	vm14 =	veq.f32 v56, v9;
	v14 =	vsel vm8, v4, v14  }
0x102: {  	v14 =	vsel vm14, v5, v14  }
0x103: {  	(xrf0) =	vmin.scan.msk.u32 $0xffff, v14;
	_ =	sdelay $0x5  }
0x104: {  	v14, _, _ =	vpop (xrf0)  }
0x105: {  	(v2sf) =	vpush v14, $0xF;
	_ =	sdelay $0xe  }
0x106: {  	s19 =	spop (v2sf)  }
0x107: {  	s19 =	sxor.u32 $0x80000000, s19  }
0x108: {  	v58 =	vmov s19  }
0x109: {  	vm8 =	veq.s32 v58, v1  }
0x10a: {  	vm15 =	veq.s32 v58, v6;
	v13 =	vsel vm8, $0xFF61B1E6, v56  }
0x10b: {  	vm8 =	veq.s32 v58, v7;
	v12 =	vsel vm15, $0xFF61B1E6, v55;
	(xrf0) =	vmax.scan.msk.f32 $0xffff, v13  }
0x10c: {  	v11 =	vsel vm8, $0xFF61B1E6, v11;
	vm8 =	veq.s32 v58, v8;
	(xrf0) =	vmax.scan.msk.f32 $0xffff, v12  }
0x10d: {  	v10 =	vsel vm8, $0xFF61B1E6, v10;
	(xrf0) =	vmax.scan.msk.f32 $0xffff, v11  }
0x10e: {  	(xrf0) =	vmax.scan.msk.f32 $0xffff, v10;
	_ =	sdelay $0x2  }
0x10f: {  	v59, _, _ =	vpop (xrf0)  }
0x110: {  	(v2sf) =	vpush v59, $0xF;
	v60, _, _ =	vpop (xrf0)  }
0x111: {  	(v2sf) =	vpush v60, $0xF;
	v61, _, _ =	vpop (xrf0)  }
0x112: {  	(v2sf) =	vpush v61, $0xF;
	v62, _, _ =	vpop (xrf0)  }
0x113: {  	(v2sf) =	vpush v62, $0xF;
	_ =	sdelay $0xb  }
0x114: {  	s14 =	sxor.u32 $0x80000000, s21;
	s20 =	spop (v2sf)  }
0x115: {  	v63 =	vmov s14;
	s19 =	smax.f32 s20, $-3.000000010e+38;
	s21 =	spop (v2sf)  }
0x116: {  	[tilespmem:s18+$0x5EB0] =	vst v10;
	v10 =	vmov s16;
	s14 =	smax.f32 s19, s21;
	s20 =	spop (v2sf)  }
0x117: {  	[tilespmem:s18+$0x5E80] =	vst v13;
	s14 =	smax.f32 s14, s20;
	s21 =	spop (v2sf)  }
0x118: {  	[tilespmem:s18+$0x5E90] =	vst v12;
	s14 =	smax.f32 s14, s21  }
0x119: {  	[tilespmem:s18+$0x5EA0] =	vst v11;
	v11 =	vmov s14  }
0x11a: {  	s14 =	simm.s32 $0x1;
	[tilespmem:v63+s31+$0x0] =	vst.idx.msk $0x1, v11  }
.LBB2_4:
0x11b: {  	p2 =	sne.s32 s14, $0x13;
	[tilespmem:v10+s0+$0x0] =	vst.idx.msk $0x1, v9;
	s18 =	smov.u32 s14;
	s14 =	sadd.s32 $0x1, s14  }
0x11c: {  	v10 =	vld [tilespmem:$0x7E20]  }
0x11d: {  	v11 =	vld [tilespmem:$0x7E00]  }
0x11e: {  	v12 =	vld [tilespmem:$0x7E30]  }
0x11f: {  	v13 =	vld [tilespmem:$0x7E10];
	_ =	sdelay $0x3  }
0x120: {  	v9 =	vmax.f32 v10, v12  }
0x121: {  	v14 =	vmax.f32 v11, v13  }
0x122: {  	v9 =	vmax.f32 v14, v9  }
0x123: {  	(xrf0) =	vmax.scan.msk.f32 $0xffff, v9;
	_ =	sdelay $0x5  }
0x124: {  	v9, _, _ =	vpop (xrf0)  }
0x125: {  	v9 =	vbroadcast v9, $0xF;
	_ =	sdelay $0x1  }
0x126: {  	vm8 =	veq.f32 v13, v9;
	vm9 =	veq.f32 v10, v9;
	vm10 =	veq.f32 v12, v9  }
0x127: {  	vm11 =	veq.f32 v11, v9;
	v10 =	vnsel vm10, $0x80000040, v2  }
0x128: {  	v10 =	vsel vm9, v3, v10  }
0x129: {  	v10 =	vsel vm8, v4, v10  }
0x12a: {  	v10 =	vsel vm11, v5, v10  }
0x12b: {  	(xrf0) =	vmin.scan.msk.u32 $0xffff, v10;
	_ =	sdelay $0x5  }
0x12c: {  	v10, _, _ =	vpop (xrf0)  }
0x12d: {  	(v2sf) =	vpush v10, $0xF;
	_ =	sdelay $0xe  }
0x12e: {  	s20 =	spop (v2sf)  }
0x12f: {  	s19 =	sxor.u32 $0x80000000, s20;
	s20 =	sshll.u32 s20, $0x8  }
0x130: {  	s20 =	sshra.s32 s20, $0x2  }
0x131: {  	v10 =	vld [tilespmem:s20+$0x5EB0]  }
0x132: {  	v11 =	vld [tilespmem:s20+$0x5EA0]  }
0x133: {  	v12 =	vld [tilespmem:s20+$0x5E90]  }
0x134: {  	v13 =	vld [tilespmem:s20+$0x5E80];
	_ =	sdelay $0x1  }
0x135: {  	vm8 =	veq.f32 v10, v9  }
0x136: {  	vm9 =	veq.f32 v11, v9;
	v14 =	vnsel vm8, $0x80000040, v2  }
0x137: {  	vm8 =	veq.f32 v12, v9;
	v14 =	vsel vm9, v3, v14  }
0x138: {  	vm9 =	veq.f32 v13, v9;
	v14 =	vsel vm8, v4, v14  }
0x139: {  	v14 =	vsel vm9, v5, v14  }
0x13a: {  	(xrf0) =	vmin.scan.msk.u32 $0xffff, v14;
	_ =	sdelay $0x5  }
0x13b: {  	v14, _, _ =	vpop (xrf0)  }
0x13c: {  	(v2sf) =	vpush v14, $0xF;
	_ =	sdelay $0xe  }
0x13d: {  	s21 =	spop (v2sf)  }
0x13e: {  	s21 =	sxor.u32 $0x80000000, s21  }
0x13f: {  	v14 =	vmov s21  }
0x140: {  	vm8 =	veq.s32 v14, v1;
	vm9 =	veq.s32 v14, v6;
	vm10 =	veq.s32 v14, v7  }
0x141: {  	v13 =	vsel vm8, $0xFF61B1E6, v13;
	v12 =	vsel vm9, $0xFF61B1E6, v12;
	v11 =	vsel vm10, $0xFF61B1E6, v11  }
0x142: {  	vm8 =	veq.s32 v14, v8;
	[tilespmem:s20+$0x5E80] =	vst v13;
	(xrf0) =	vmax.scan.msk.f32 $0xffff, v13  }
0x143: {  	v10 =	vsel vm8, $0xFF61B1E6, v10;
	[tilespmem:s20+$0x5E90] =	vst v12;
	(xrf0) =	vmax.scan.msk.f32 $0xffff, v12  }
0x144: {  	[tilespmem:s20+$0x5EB0] =	vst v10;
	(xrf0) =	vmax.scan.msk.f32 $0xffff, v11  }
0x145: {  	[tilespmem:s20+$0x5EA0] =	vst v11;
	(xrf0) =	vmax.scan.msk.f32 $0xffff, v10;
	_ =	sdelay $0x2  }
0x146: {  	v10, _, _ =	vpop (xrf0)  }
0x147: {  	(v2sf) =	vpush v10, $0xF;
	v10, _, _ =	vpop (xrf0)  }
0x148: {  	(v2sf) =	vpush v10, $0xF;
	v10, _, _ =	vpop (xrf0)  }
0x149: {  	(v2sf) =	vpush v10, $0xF;
	v10, _, _ =	vpop (xrf0)  }
0x14a: {  	(v2sf) =	vpush v10, $0xF;
	_ =	sdelay $0xb  }
0x14b: {  	s20 =	spop (v2sf)  }
0x14c: {  	v11 =	vmov s19;
	s20 =	smax.f32 s20, $-3.000000010e+38;
	s19 =	spop (v2sf)  }
0x14d: {  	s19 =	smax.f32 s20, s19  }
.Ltmp3:
0x14e: {  	v10 =	vmov s18;
	s18 =	spop (v2sf);
	(pc) =	sbr.rel @p2 .LBB2_4-.Ltmp3, $4  }
0x14f: {  	s18 =	smax.f32 s19, s18;
	s19 =	spop (v2sf)  }
0x150: {  	s18 =	smax.f32 s18, s19  }
0x151: {  	v12 =	vmov s18  }
0x152: {  	[tilespmem:v11+s31+$0x0] =	vst.idx.msk $0x1, v12  }
0x153: {  	_ =	sdelay $0x3  }
0x154: {  	[tilespmem:v10+s0+$0x0] =	vst.idx.msk $0x1, v9  }
0x155: {  	v10 =	vld [tilespmem:$0x7E60]  }
0x156: {  	v11 =	vld [tilespmem:$0x7E40]  }
0x157: {  	v12 =	vld [tilespmem:$0x7E70]  }
0x158: {  	v13 =	vld [tilespmem:$0x7E50];
	_ =	sdelay $0x4  }
0x159: {  	v9 =	vmax.f32 v10, v12;
	v14 =	vmax.f32 v11, v13  }
0x15a: {  	v9 =	vmax.f32 v14, v9  }
0x15b: {  	(xrf0) =	vmax.scan.msk.f32 $0xffff, v9;
	_ =	sdelay $0x5  }
0x15c: {  	v9, _, _ =	vpop (xrf0)  }
0x15d: {  	v9 =	vbroadcast v9, $0xF;
	_ =	sdelay $0x1  }
0x15e: {  	vm8 =	veq.f32 v12, v9  }
0x15f: {  	vm9 =	veq.f32 v10, v9;
	v10 =	vnsel vm8, $0x80000040, v2  }
0x160: {  	vm8 =	veq.f32 v13, v9;
	v10 =	vsel vm9, v3, v10  }
0x161: {  	vm12 =	veq.f32 v11, v9;
	v10 =	vsel vm8, v4, v10  }
0x162: {  	v10 =	vsel vm12, v5, v10  }
0x163: {  	(xrf0) =	vmin.scan.msk.u32 $0xffff, v10;
	_ =	sdelay $0x5  }
0x164: {  	v10, _, _ =	vpop (xrf0)  }
0x165: {  	(v2sf) =	vpush v10, $0xF;
	_ =	sdelay $0xe  }
0x166: {  	s14 =	spop (v2sf)  }
0x167: {  	s18 =	sshll.u32 s14, $0x8  }
0x168: {  	s18 =	sshra.s32 s18, $0x2  }
0x169: {  	v10 =	vld [tilespmem:s18+$0x6E70]  }
0x16a: {  	v11 =	vld [tilespmem:s18+$0x6E60]  }
0x16b: {  	v55 =	vld [tilespmem:s18+$0x6E50]  }
0x16c: {  	v56 =	vld [tilespmem:s18+$0x6E40];
	_ =	sdelay $0x1  }
0x16d: {  	vm8 =	veq.f32 v10, v9  }
0x16e: {  	vm13 =	veq.f32 v11, v9;
	v57 =	vnsel vm8, $0x80000040, v2  }
0x16f: {  	vm8 =	veq.f32 v55, v9;
	v14 =	vsel vm13, v3, v57  }
0x170: {  	vm14 =	veq.f32 v56, v9;
	v14 =	vsel vm8, v4, v14  }
0x171: {  	v14 =	vsel vm14, v5, v14  }
0x172: {  	(xrf0) =	vmin.scan.msk.u32 $0xffff, v14;
	_ =	sdelay $0x5  }
0x173: {  	v14, _, _ =	vpop (xrf0)  }
0x174: {  	(v2sf) =	vpush v14, $0xF;
	_ =	sdelay $0xe  }
0x175: {  	s19 =	spop (v2sf)  }
0x176: {  	s19 =	sxor.u32 $0x80000000, s19  }
0x177: {  	v58 =	vmov s19  }
0x178: {  	vm8 =	veq.s32 v58, v1  }
0x179: {  	vm15 =	veq.s32 v58, v6;
	v13 =	vsel vm8, $0xFF61B1E6, v56  }
0x17a: {  	vm8 =	veq.s32 v58, v7;
	v12 =	vsel vm15, $0xFF61B1E6, v55;
	(xrf0) =	vmax.scan.msk.f32 $0xffff, v13  }
0x17b: {  	v11 =	vsel vm8, $0xFF61B1E6, v11;
	vm8 =	veq.s32 v58, v8;
	(xrf0) =	vmax.scan.msk.f32 $0xffff, v12  }
0x17c: {  	v10 =	vsel vm8, $0xFF61B1E6, v10;
	(xrf0) =	vmax.scan.msk.f32 $0xffff, v11  }
0x17d: {  	(xrf0) =	vmax.scan.msk.f32 $0xffff, v10;
	_ =	sdelay $0x2  }
0x17e: {  	v59, _, _ =	vpop (xrf0)  }
0x17f: {  	(v2sf) =	vpush v59, $0xF;
	v60, _, _ =	vpop (xrf0)  }
0x180: {  	(v2sf) =	vpush v60, $0xF;
	v61, _, _ =	vpop (xrf0)  }
0x181: {  	(v2sf) =	vpush v61, $0xF;
	v62, _, _ =	vpop (xrf0)  }
0x182: {  	(v2sf) =	vpush v62, $0xF;
	_ =	sdelay $0xb  }
0x183: {  	s14 =	sxor.u32 $0x80000000, s14;
	s20 =	spop (v2sf)  }
0x184: {  	v63 =	vmov s14;
	s19 =	smax.f32 s20, $-3.000000010e+38;
	s21 =	spop (v2sf)  }
0x185: {  	[tilespmem:s18+$0x6E70] =	vst v10;
	v10 =	vmov s16;
	s14 =	smax.f32 s19, s21;
	s20 =	spop (v2sf)  }
0x186: {  	[tilespmem:s18+$0x6E40] =	vst v13;
	s14 =	smax.f32 s14, s20;
	s21 =	spop (v2sf)  }
0x187: {  	[tilespmem:s18+$0x6E50] =	vst v12;
	s14 =	smax.f32 s14, s21  }
0x188: {  	[tilespmem:s18+$0x6E60] =	vst v11;
	v11 =	vmov s14  }
0x189: {  	s14 =	simm.s32 $0x1;
	[tilespmem:v63+s1+$0x0] =	vst.idx.msk $0x1, v11  }
.LBB2_6:
0x18a: {  	p2 =	sne.s32 s14, $0x13;
	[tilespmem:v10+s13+$0x0] =	vst.idx.msk $0x1, v9;
	s16 =	smov.u32 s14;
	s14 =	sadd.s32 $0x1, s14  }
0x18b: {  	v10 =	vld [tilespmem:$0x7E60]  }
0x18c: {  	v11 =	vld [tilespmem:$0x7E40]  }
0x18d: {  	v12 =	vld [tilespmem:$0x7E70]  }
0x18e: {  	v13 =	vld [tilespmem:$0x7E50];
	_ =	sdelay $0x3  }
0x18f: {  	v9 =	vmax.f32 v10, v12  }
0x190: {  	v14 =	vmax.f32 v11, v13  }
0x191: {  	v9 =	vmax.f32 v14, v9  }
0x192: {  	(xrf0) =	vmax.scan.msk.f32 $0xffff, v9;
	_ =	sdelay $0x5  }
0x193: {  	v9, _, _ =	vpop (xrf0)  }
0x194: {  	v9 =	vbroadcast v9, $0xF;
	_ =	sdelay $0x1  }
0x195: {  	vm8 =	veq.f32 v13, v9;
	vm9 =	veq.f32 v10, v9;
	vm10 =	veq.f32 v12, v9  }
0x196: {  	vm11 =	veq.f32 v11, v9;
	v10 =	vnsel vm10, $0x80000040, v2  }
0x197: {  	v10 =	vsel vm9, v3, v10  }
0x198: {  	v10 =	vsel vm8, v4, v10  }
0x199: {  	v10 =	vsel vm11, v5, v10  }
0x19a: {  	(xrf0) =	vmin.scan.msk.u32 $0xffff, v10;
	_ =	sdelay $0x5  }
0x19b: {  	v10, _, _ =	vpop (xrf0)  }
0x19c: {  	(v2sf) =	vpush v10, $0xF;
	_ =	sdelay $0xe  }
0x19d: {  	s19 =	spop (v2sf)  }
0x19e: {  	s18 =	sxor.u32 $0x80000000, s19;
	s19 =	sshll.u32 s19, $0x8  }
0x19f: {  	s19 =	sshra.s32 s19, $0x2  }
0x1a0: {  	v10 =	vld [tilespmem:s19+$0x6E70]  }
0x1a1: {  	v11 =	vld [tilespmem:s19+$0x6E60]  }
0x1a2: {  	v12 =	vld [tilespmem:s19+$0x6E50]  }
0x1a3: {  	v13 =	vld [tilespmem:s19+$0x6E40];
	_ =	sdelay $0x1  }
0x1a4: {  	vm8 =	veq.f32 v10, v9  }
0x1a5: {  	vm9 =	veq.f32 v11, v9;
	v14 =	vnsel vm8, $0x80000040, v2  }
0x1a6: {  	vm8 =	veq.f32 v12, v9;
	v14 =	vsel vm9, v3, v14  }
0x1a7: {  	vm9 =	veq.f32 v13, v9;
	v14 =	vsel vm8, v4, v14  }
0x1a8: {  	v14 =	vsel vm9, v5, v14  }
0x1a9: {  	(xrf0) =	vmin.scan.msk.u32 $0xffff, v14;
	_ =	sdelay $0x5  }
0x1aa: {  	v14, _, _ =	vpop (xrf0)  }
0x1ab: {  	(v2sf) =	vpush v14, $0xF;
	_ =	sdelay $0xe  }
0x1ac: {  	s20 =	spop (v2sf)  }
0x1ad: {  	s20 =	sxor.u32 $0x80000000, s20  }
0x1ae: {  	v14 =	vmov s20  }
0x1af: {  	vm8 =	veq.s32 v14, v1;
	vm9 =	veq.s32 v14, v6;
	vm10 =	veq.s32 v14, v7  }
0x1b0: {  	v13 =	vsel vm8, $0xFF61B1E6, v13;
	v12 =	vsel vm9, $0xFF61B1E6, v12;
	v11 =	vsel vm10, $0xFF61B1E6, v11  }
0x1b1: {  	vm8 =	veq.s32 v14, v8;
	[tilespmem:s19+$0x6E40] =	vst v13;
	(xrf0) =	vmax.scan.msk.f32 $0xffff, v13  }
0x1b2: {  	v10 =	vsel vm8, $0xFF61B1E6, v10;
	[tilespmem:s19+$0x6E50] =	vst v12;
	(xrf0) =	vmax.scan.msk.f32 $0xffff, v12  }
0x1b3: {  	[tilespmem:s19+$0x6E70] =	vst v10;
	(xrf0) =	vmax.scan.msk.f32 $0xffff, v11  }
0x1b4: {  	[tilespmem:s19+$0x6E60] =	vst v11;
	(xrf0) =	vmax.scan.msk.f32 $0xffff, v10;
	_ =	sdelay $0x2  }
0x1b5: {  	v10, _, _ =	vpop (xrf0)  }
0x1b6: {  	(v2sf) =	vpush v10, $0xF;
	v10, _, _ =	vpop (xrf0)  }
0x1b7: {  	(v2sf) =	vpush v10, $0xF;
	v10, _, _ =	vpop (xrf0)  }
0x1b8: {  	(v2sf) =	vpush v10, $0xF;
	v10, _, _ =	vpop (xrf0)  }
0x1b9: {  	(v2sf) =	vpush v10, $0xF;
	_ =	sdelay $0xb  }
0x1ba: {  	s19 =	spop (v2sf)  }
0x1bb: {  	v11 =	vmov s18;
	s19 =	smax.f32 s19, $-3.000000010e+38;
	s18 =	spop (v2sf)  }
0x1bc: {  	s18 =	smax.f32 s19, s18  }
.Ltmp4:
0x1bd: {  	v10 =	vmov s16;
	s16 =	spop (v2sf);
	(pc) =	sbr.rel @p2 .LBB2_6-.Ltmp4, $4  }
0x1be: {  	s16 =	smax.f32 s18, s16;
	s18 =	spop (v2sf)  }
0x1bf: {  	s16 =	smax.f32 s16, s18  }
0x1c0: {  	v12 =	vmov s16  }
0x1c1: {  	[tilespmem:v11+s1+$0x0] =	vst.idx.msk $0x1, v12  }
0x1c2: {  	_ =	sdelay $0x3  }
0x1c3: {  	[tilespmem:v10+s13+$0x0] =	vst.idx.msk $0x1, v9  }
0x1c4: {  	[spmem:s11] =	stream.linear.scatter [tilespmem:s0], [sflag:$0x7], $0x20, $0x38;
	[tilespmem:$0x8020] =	vst v63  }
0x1c5: {  	_ =	swait.ge [sflag:s24], $0x20  }
0x1c6: {  	[sflag:s24] =	ssyncset.done $0x0  }
0x1c7: {  	[sflag:s24] =	ssyncadd.s32 $0xFFFFFFE0  }
0x1c8: {  	[spmem:s12] =	stream.linear.scatter [tilespmem:s13], [sflag:$0x7], $0x20, $0x38;
	[tilespmem:$0x8020] =	vst v63  }
.Ltmp5:
0x1c9: {  	_ =	swait.ge [sflag:s24], $0x20;
	(pc) =	sbr.rel @p1 .LBB2_12-.Ltmp5, $3  }
0x1ca: {  	[sflag:s24] =	ssyncset.done $0x0  }
0x1cb: {  	[sflag:s24] =	ssyncadd.s32 $0xFFFFFFE0  }
0x1cc: {  	[bflag:$0x0] =	sbarrier.arrive $0xFFFF;
	_ =	sdelay $0x1  }
.Ltmp6:
0x1cd: {  	(pc) =	sbr.rel @p0 .LBB2_16-.Ltmp6, $1  }
0x1ce: {  	_ =	sdelay $0x3  }
0x1cf: {  	s14 =	rddreg [dreg:$0x7];
	s16 =	simm.s32 $0x7F90  }
0x1d0: {  	[tilespmem:s16], [sflag:$0x7] =	stream.linear.gather [spmem:s14], $0x80, $0x38;
	[tilespmem:$0x8020] =	vst v63  }
0x1d1: {  	_ =	swait.ge [sflag:s24], $0x80  }
0x1d2: {  	[sflag:s24] =	ssyncset.done $0x0  }
0x1d3: {  	[sflag:s24] =	ssyncadd.s32 $0xFFFFFF80  }
0x1d4: {  	v9 =	vld [tilespmem:$0x7F90]  }
0x1d5: {  	v10 =	vld [tilespmem:$0x7FA0]  }
0x1d6: {  	v11 =	vld [tilespmem:$0x7FB0]  }
0x1d7: {  	v12 =	vld [tilespmem:$0x7FC0]  }
0x1d8: {  	v13 =	vld [tilespmem:$0x7FD0]  }
0x1d9: {  	(xrf0) =	vmax.scan.msk.f32 $0xffff, v9;
	v9 =	vld [tilespmem:$0x7FE0]  }
0x1da: {  	(xrf0) =	vmax.scan.msk.f32 $0xffff, v10;
	v10 =	vld [tilespmem:$0x7FF0]  }
0x1db: {  	(xrf0) =	vmax.scan.msk.f32 $0xffff, v11;
	v11 =	vld [tilespmem:$0x8000]  }
0x1dc: {  	(xrf0) =	vmax.scan.msk.f32 $0xffff, v12  }
0x1dd: {  	(xrf0) =	vmax.scan.msk.f32 $0xffff, v13  }
0x1de: {  	(xrf0) =	vmax.scan.msk.f32 $0xffff, v9  }
0x1df: {  	v9, _, _ =	vpop (xrf0);
	(xrf0) =	vmax.scan.msk.f32 $0xffff, v10  }
0x1e0: {  	v9 =	vbroadcast v9, $0xF;
	v10, _, _ =	vpop (xrf0);
	(xrf0) =	vmax.scan.msk.f32 $0xffff, v11  }
0x1e1: {  	vm8 =	vmmov $0x1;
	v11, _, _ =	vpop (xrf0);
	v10 =	vbroadcast v10, $0xF  }
0x1e2: {  	v12, _, _ =	vpop (xrf0);
	v9 =	vnsel vm8, $0xFF61B1E6, v9;
	v11 =	vbroadcast v11, $0xF  }
0x1e3: {  	v13, _, _ =	vpop (xrf0);
	v9 =	vsel vm0, v9, v10;
	v10 =	vbroadcast v12, $0xF  }
0x1e4: {  	v61, _, _ =	vpop (xrf0);
	v9 =	vsel vm1, v9, v11;
	v11 =	vbroadcast v13, $0xF  }
0x1e5: {  	v62, _, _ =	vpop (xrf0);
	v9 =	vsel vm2, v9, v10;
	v10 =	vbroadcast v61, $0xF  }
0x1e6: {  	v9 =	vsel vm3, v9, v11;
	v11 =	vbroadcast v62, $0xF;
	v63, _, _ =	vpop (xrf0)  }
0x1e7: {  	v9 =	vsel vm4, v9, v10;
	v10 =	vbroadcast v63, $0xF  }
0x1e8: {  	v9 =	vsel vm5, v9, v11  }
0x1e9: {  	v9 =	vsel vm6, v9, v10  }
0x1ea: {  	s14 =	simm.f32 $0.0e+00;
	s16 =	simm.s32 $0x13;
	(xrf0) =	vmax.scan.msk.f32 $0xffff, v9  }
.LBB2_10:
0x1eb: {  	p2 =	seq.s32 s16, $0x1;
	_ =	sdelay $0x4  }
0x1ec: {  	v10, _, _ =	vpop (xrf0)  }
0x1ed: {  	v11 =	vbroadcast v10, $0xF;
	(v2sf) =	vpush v10, $0xF;
	_ =	sdelay $0x1  }
0x1ee: {  	vm8 =	veq.f32 v9, v11  }
0x1ef: {  	v10 =	vnsel vm8, $0x80000010, v5  }
0x1f0: {  	(xrf0) =	vmin.scan.msk.u32 $0xffff, v10;
	_ =	sdelay $0x5  }
0x1f1: {  	v10, _, _ =	vpop (xrf0)  }
0x1f2: {  	(v2sf) =	vpush v10, $0xF;
	_ =	sdelay $0x3  }
0x1f3: {  	s18 =	spop (v2sf)  }
0x1f4: {  	s14 =	sadd.f32 s18, s14;
	_ =	sdelay $0x9  }
0x1f5: {  	s18 =	spop (v2sf)  }
0x1f6: {  	s19 =	sshll.u32 s18, $0x6  }
0x1f7: {  	s19 =	sshra.s32 s19, $0x2  }
0x1f8: {  	v10 =	vld [tilespmem:s19+$0x7F90];
	_ =	sdelay $0x4  }
0x1f9: {  	vm8 =	veq.f32 v10, v11  }
0x1fa: {  	v11 =	vnsel vm8, $0x80000010, v5  }
0x1fb: {  	(xrf0) =	vmin.scan.msk.u32 $0xffff, v11;
	_ =	sdelay $0x5  }
0x1fc: {  	v11, _, _ =	vpop (xrf0)  }
0x1fd: {  	(v2sf) =	vpush v11, $0xF;
	_ =	sdelay $0xe  }
0x1fe: {  	s20 =	spop (v2sf)  }
0x1ff: {  	s20 =	sxor.u32 $0x80000000, s20  }
0x200: {  	v11 =	vmov s20  }
0x201: {  	vm8 =	veq.s32 v11, v1  }
0x202: {  	v10 =	vsel vm8, $0xFF61B1E6, v10  }
0x203: {  	[tilespmem:s19+$0x7F90] =	vst v10;
	(xrf0) =	vmax.scan.msk.f32 $0xffff, v10;
	_ =	sdelay $0x5  }
.Ltmp7:
0x204: {  	s18 =	sxor.u32 $0x80000000, s18;
	v10, _, _ =	vpop (xrf0);
	(pc) =	sbr.rel @!p2 .LBB2_10-.Ltmp7, $4  }
0x205: {  	v11 =	vmov s18;
	v10 =	vbroadcast v10, $0xF  }
0x206: {  	vm8 =	veq.s32 v11, v1  }
0x207: {  	v9 =	vsel vm8, v10, v9  }
0x208: {  	s16 =	sadd.s32 $0xFFFFFFFF, s16;
	(xrf0) =	vmax.scan.msk.f32 $0xffff, v9  }
0x209: {  	_ =	sdelay $0x4  }
0x20a: {  	v10, _, _ =	vpop (xrf0)  }
0x20b: {  	v11 =	vbroadcast v10, $0xF;
	_ =	sdelay $0x1  }
0x20c: {  	vm8 =	veq.f32 v9, v11  }
0x20d: {  	v9 =	vnsel vm8, $0x80000010, v5  }
0x20e: {  	(xrf0) =	vmin.scan.msk.u32 $0xffff, v9;
	_ =	sdelay $0x5  }
0x20f: {  	(v2sf) =	vpush v10, $0xF;
	v9, _, _ =	vpop (xrf0)  }
0x210: {  	(v2sf) =	vpush v9, $0xF;
	_ =	sdelay $0xd  }
0x211: {  	s16 =	spop (v2sf)  }
0x212: {  	s18 =	spop (v2sf)  }
0x213: {  	s18 =	sshll.u32 s18, $0x6  }
0x214: {  	s18 =	sshra.s32 s18, $0x2  }
0x215: {  	v9 =	vld [tilespmem:s18+$0x7F90];
	_ =	sdelay $0x4  }
0x216: {  	vm8 =	veq.f32 v9, v11  }
0x217: {  	v10 =	vnsel vm8, $0x80000010, v5  }
0x218: {  	(xrf0) =	vmin.scan.msk.u32 $0xffff, v10;
	_ =	sdelay $0x5  }
0x219: {  	v10, _, _ =	vpop (xrf0)  }
0x21a: {  	(v2sf) =	vpush v10, $0xF;
	_ =	sdelay $0xe  }
0x21b: {  	s19 =	spop (v2sf)  }
0x21c: {  	s19 =	sxor.u32 $0x80000000, s19  }
0x21d: {  	v10 =	vmov s19  }
0x21e: {  	vm8 =	veq.s32 v10, v1  }
0x21f: {  	v9 =	vsel vm8, $0xFF61B1E6, v9  }
0x220: {  	(xrf0) =	vmax.scan.msk.f32 $0xffff, v9;
	_ =	sdelay $0x1  }
.Ltmp8:
0x221: {  	_ = 	snop;
	(pc) =	sbr.rel .LBB2_15-.Ltmp8, $3  }
0x222: {  	_ =	sdelay $0x1  }
0x223: {  	s14 =	sadd.f32 s16, s14  }
0x224: {  	s16 =	rddreg [dreg:$0x8];
	[tilespmem:s18+$0x7F90] =	vst v9;
	v9, _, _ =	vpop (xrf0)  }
.LBB2_12:
0x225: {  	s14 =	rddreg [dreg:$0x5];
	s16 =	simm.s32 $0x7F10  }
0x226: {  	[tilespmem:s16], [sflag:$0x7] =	stream.linear.gather [spmem:s14], $0x80, $0x38;
	[tilespmem:$0x8020] =	vst v63  }
0x227: {  	_ =	swait.ge [sflag:s24], $0x80  }
0x228: {  	[sflag:s24] =	ssyncset.done $0x0  }
0x229: {  	[sflag:s24] =	ssyncadd.s32 $0xFFFFFF80  }
0x22a: {  	v9 =	vld [tilespmem:$0x7F10]  }
0x22b: {  	v10 =	vld [tilespmem:$0x7F20]  }
0x22c: {  	v11 =	vld [tilespmem:$0x7F30]  }
0x22d: {  	v12 =	vld [tilespmem:$0x7F40]  }
0x22e: {  	v13 =	vld [tilespmem:$0x7F50]  }
0x22f: {  	(xrf0) =	vmax.scan.msk.f32 $0xffff, v9;
	v9 =	vld [tilespmem:$0x7F60]  }
0x230: {  	(xrf0) =	vmax.scan.msk.f32 $0xffff, v10;
	v10 =	vld [tilespmem:$0x7F70]  }
0x231: {  	(xrf0) =	vmax.scan.msk.f32 $0xffff, v11;
	v11 =	vld [tilespmem:$0x7F80]  }
0x232: {  	(xrf0) =	vmax.scan.msk.f32 $0xffff, v12  }
0x233: {  	(xrf0) =	vmax.scan.msk.f32 $0xffff, v13  }
0x234: {  	(xrf0) =	vmax.scan.msk.f32 $0xffff, v9  }
0x235: {  	v9, _, _ =	vpop (xrf0);
	(xrf0) =	vmax.scan.msk.f32 $0xffff, v10  }
0x236: {  	v9 =	vbroadcast v9, $0xF;
	v10, _, _ =	vpop (xrf0);
	(xrf0) =	vmax.scan.msk.f32 $0xffff, v11  }
0x237: {  	vm8 =	vmmov $0x1;
	v11, _, _ =	vpop (xrf0);
	v10 =	vbroadcast v10, $0xF  }
0x238: {  	v12, _, _ =	vpop (xrf0);
	v9 =	vnsel vm8, $0xFF61B1E6, v9;
	v11 =	vbroadcast v11, $0xF  }
0x239: {  	v13, _, _ =	vpop (xrf0);
	v9 =	vsel vm0, v9, v10;
	v10 =	vbroadcast v12, $0xF  }
0x23a: {  	v61, _, _ =	vpop (xrf0);
	v9 =	vsel vm1, v9, v11;
	v11 =	vbroadcast v13, $0xF  }
0x23b: {  	v62, _, _ =	vpop (xrf0);
	v9 =	vsel vm2, v9, v10;
	v10 =	vbroadcast v61, $0xF  }
0x23c: {  	v9 =	vsel vm3, v9, v11;
	v11 =	vbroadcast v62, $0xF;
	v63, _, _ =	vpop (xrf0)  }
0x23d: {  	v9 =	vsel vm4, v9, v10;
	v10 =	vbroadcast v63, $0xF  }
0x23e: {  	v9 =	vsel vm5, v9, v11  }
0x23f: {  	v9 =	vsel vm6, v9, v10  }
0x240: {  	s14 =	simm.f32 $0.0e+00;
	s16 =	simm.s32 $0x13;
	(xrf0) =	vmax.scan.msk.f32 $0xffff, v9  }
.LBB2_13:
0x241: {  	p2 =	sne.s32 s16, $0x1;
	_ =	sdelay $0x4  }
0x242: {  	v10, _, _ =	vpop (xrf0)  }
0x243: {  	v11 =	vbroadcast v10, $0xF;
	(v2sf) =	vpush v10, $0xF;
	_ =	sdelay $0x1  }
0x244: {  	vm8 =	veq.f32 v9, v11  }
0x245: {  	v10 =	vnsel vm8, $0x80000010, v5  }
0x246: {  	(xrf0) =	vmin.scan.msk.u32 $0xffff, v10;
	_ =	sdelay $0x5  }
0x247: {  	v10, _, _ =	vpop (xrf0)  }
0x248: {  	(v2sf) =	vpush v10, $0xF;
	_ =	sdelay $0x3  }
0x249: {  	s18 =	spop (v2sf)  }
0x24a: {  	s14 =	sadd.f32 s18, s14;
	_ =	sdelay $0x9  }
0x24b: {  	s18 =	spop (v2sf)  }
0x24c: {  	s19 =	sshll.u32 s18, $0x6  }
0x24d: {  	s19 =	sshra.s32 s19, $0x2  }
0x24e: {  	v10 =	vld [tilespmem:s19+$0x7F10];
	_ =	sdelay $0x4  }
0x24f: {  	vm8 =	veq.f32 v10, v11  }
0x250: {  	v11 =	vnsel vm8, $0x80000010, v5  }
0x251: {  	(xrf0) =	vmin.scan.msk.u32 $0xffff, v11;
	_ =	sdelay $0x5  }
0x252: {  	v11, _, _ =	vpop (xrf0)  }
0x253: {  	(v2sf) =	vpush v11, $0xF;
	_ =	sdelay $0xe  }
0x254: {  	s20 =	spop (v2sf)  }
0x255: {  	s20 =	sxor.u32 $0x80000000, s20  }
0x256: {  	v11 =	vmov s20  }
0x257: {  	vm8 =	veq.s32 v11, v1  }
0x258: {  	v10 =	vsel vm8, $0xFF61B1E6, v10  }
0x259: {  	[tilespmem:s19+$0x7F10] =	vst v10;
	(xrf0) =	vmax.scan.msk.f32 $0xffff, v10;
	_ =	sdelay $0x5  }
.Ltmp9:
0x25a: {  	s18 =	sxor.u32 $0x80000000, s18;
	v10, _, _ =	vpop (xrf0);
	(pc) =	sbr.rel @p2 .LBB2_13-.Ltmp9, $4  }
0x25b: {  	v11 =	vmov s18;
	v10 =	vbroadcast v10, $0xF  }
0x25c: {  	vm8 =	veq.s32 v11, v1  }
0x25d: {  	v9 =	vsel vm8, v10, v9  }
0x25e: {  	s16 =	sadd.s32 $0xFFFFFFFF, s16;
	(xrf0) =	vmax.scan.msk.f32 $0xffff, v9  }
0x25f: {  	_ =	sdelay $0x4  }
0x260: {  	v10, _, _ =	vpop (xrf0)  }
0x261: {  	v11 =	vbroadcast v10, $0xF;
	_ =	sdelay $0x1  }
0x262: {  	vm8 =	veq.f32 v9, v11  }
0x263: {  	v9 =	vnsel vm8, $0x80000010, v5  }
0x264: {  	(xrf0) =	vmin.scan.msk.u32 $0xffff, v9;
	_ =	sdelay $0x5  }
0x265: {  	(v2sf) =	vpush v10, $0xF;
	v9, _, _ =	vpop (xrf0)  }
0x266: {  	(v2sf) =	vpush v9, $0xF;
	_ =	sdelay $0xd  }
0x267: {  	s16 =	spop (v2sf)  }
0x268: {  	s18 =	spop (v2sf)  }
0x269: {  	s18 =	sshll.u32 s18, $0x6  }
0x26a: {  	s18 =	sshra.s32 s18, $0x2  }
0x26b: {  	v9 =	vld [tilespmem:s18+$0x7F10];
	_ =	sdelay $0x4  }
0x26c: {  	vm8 =	veq.f32 v9, v11  }
0x26d: {  	v10 =	vnsel vm8, $0x80000010, v5  }
0x26e: {  	(xrf0) =	vmin.scan.msk.u32 $0xffff, v10;
	_ =	sdelay $0x5  }
0x26f: {  	v10, _, _ =	vpop (xrf0)  }
0x270: {  	(v2sf) =	vpush v10, $0xF;
	_ =	sdelay $0xe  }
0x271: {  	s19 =	spop (v2sf)  }
0x272: {  	s19 =	sxor.u32 $0x80000000, s19  }
0x273: {  	v10 =	vmov s19  }
0x274: {  	vm8 =	veq.s32 v10, v1  }
0x275: {  	v9 =	vsel vm8, $0xFF61B1E6, v9  }
0x276: {  	(xrf0) =	vmax.scan.msk.f32 $0xffff, v9;
	_ =	sdelay $0x1  }
.Ltmp10:
0x277: {  	_ = 	snop;
	(pc) =	sbr.rel .LBB2_15-.Ltmp10, $3  }
0x278: {  	_ =	sdelay $0x1  }
0x279: {  	s14 =	sadd.f32 s16, s14  }
0x27a: {  	s16 =	rddreg [dreg:$0x6];
	[tilespmem:s18+$0x7F10] =	vst v9;
	v9, _, _ =	vpop (xrf0)  }
.LBB2_17:
0x27b: {  	_ =	sfence.sel $0x180000  }
0x27c: {  	[bflag:$0x0] =	sbarrier.arrive $0xFFFF  }
0x27d: {  	_ =	strace $0x90000047  }
0x27e: {  	s0 =	stileid.u32;
	[bflag:$0x2] =	sbarrier.arrive $0xFFFF  }
0x27f: {  	p0 =	sne.s32 s0, $0x0;
	s0 =	rddreg [dreg:$0x4]  }
0x280: {  	s0 =	sadd.s32 @!p0 $0x100000, s0  }
0x281: {  	[sflag:s0] =	ssyncadd.tile.s32 @!p0 $0x1;
	_ =	shalt  }
.Lfunc_end2:
_tile_overlayer_lowered:
.L_overlay_start_2:
0x282: {  	(tag) =	ssettag $0x2  }
0x283: {  	s0 =	rddreg [dreg:$0x0];
	s2 =	stileid.u32  }
0x284: {  	s1 =	rddreg [dreg:$0x1];
	p0 =	sne.s32 s2, $0x0  }
0x285: {  	s3 =	rddreg [dreg:$0x2];
	[bflag:$0x3] =	sbarrier.arrive $0xFFFF;
	s2 =	simm.s32 @!p0 $0x1C07  }
0x286: {  	[timem:s3], [sflag:s2] =	dma.local @!p0 [hbm:s0], s1  }
0x287: {  	s0 =	simm.s32 @!p0 $0x7  }
0x288: {  	_ =	swait.ge @!p0 [sflag:s0], s1  }
0x289: {  	s1 =	ssub.s32 @!p0 $0x0, s1;
	[sflag:s0] =	ssyncset.done @!p0 $0x0  }
0x28a: {  	[sflag:s0] =	ssyncadd.s32 @!p0 s1  }
0x28b: {  	[bflag:$0x3] =	sbarrier.arrive $0xFFFF  }
0x28c: {  	_ =	shalt  }

</sc_bundles>
